<compile_context>
chip_gen: v7x
topology: tpu7x:2x2x1
jax: 0.10.2.dev20260603
libtpu: 0.0.44.dev20260713+nightly
codegen_flags: <defaults>
</compile_context>

<pallas_src>
import functools

import jax
import jax.numpy as jnp
from jax import lax
from jax.experimental import pallas as pl
from jax.experimental.pallas import tpu as pltpu
from jax.experimental.pallas import tpu_sc as plsc

BATCH = 16384
EMB = 16
OUT_W = 50
NUM_WORKERS = 32
BPW = BATCH // NUM_WORKERS
CHUNK = 128
NCHUNK = BPW // CHUNK


def _make_kernel():
    mesh = plsc.VectorSubcoreMesh(core_axis_name="c", subcore_axis_name="s")

    @functools.partial(
        pl.kernel,
        out_type=jax.ShapeDtypeStruct((BATCH, OUT_W), jnp.float32),
        mesh=mesh,
        compiler_params=pltpu.CompilerParams(use_tc_tiling_on_sc=False),
        scratch_types=[
            pltpu.VMEM((NCHUNK, CHUNK), jnp.int32),
            pltpu.VMEM((NCHUNK, CHUNK), jnp.int32),
            pltpu.VMEM((NCHUNK, CHUNK), jnp.int32),
            pltpu.VMEM((NCHUNK * CHUNK, EMB), jnp.float32),
            pltpu.VMEM((NCHUNK * CHUNK, EMB), jnp.float32),
            pltpu.VMEM((NCHUNK * CHUNK, EMB), jnp.float32),
            pltpu.VMEM((BPW, 2), jnp.float32),
            pltpu.SemaphoreType.DMA,
            pltpu.SemaphoreType.DMA,
            pltpu.SemaphoreType.DMA,
            pltpu.SemaphoreType.DMA,
        ],
    )
    def k(aid_hbm, hr_hbm, wd_hbm, nm_hbm, at_hbm, ht_hbm, wt_hbm,
          out_hbm, aidx, hidx, widx, ra, rh, rw, nm, sa, sh, sw, so):
        wid = lax.axis_index("s") * 2 + lax.axis_index("c")
        base = wid * BPW

        pltpu.sync_copy(aid_hbm.at[pl.ds(wid * NCHUNK, NCHUNK)], aidx)
        pltpu.sync_copy(hr_hbm.at[pl.ds(wid * NCHUNK, NCHUNK)], hidx)
        pltpu.sync_copy(wd_hbm.at[pl.ds(wid * NCHUNK, NCHUNK)], widx)

        def shift(i, carry):
            for j in range(NCHUNK):
                aidx[j, pl.ds(i * 16, 16)] = aidx[j, pl.ds(i * 16, 16)] + 1
                hidx[j, pl.ds(i * 16, 16)] = hidx[j, pl.ds(i * 16, 16)] + 1
                widx[j, pl.ds(i * 16, 16)] = widx[j, pl.ds(i * 16, 16)] + 1
            return carry
        lax.fori_loop(0, CHUNK // 16, shift, 0)

        copies = []
        for j in range(NCHUNK):
            copies.append(pltpu.async_copy(
                at_hbm.at[aidx.at[j]], ra.at[pl.ds(j * CHUNK, CHUNK)], sa))
            copies.append(pltpu.async_copy(
                ht_hbm.at[hidx.at[j]], rh.at[pl.ds(j * CHUNK, CHUNK)], sh))
            copies.append(pltpu.async_copy(
                wt_hbm.at[widx.at[j]], rw.at[pl.ds(j * CHUNK, CHUNK)], sw))
        nmc = pltpu.async_copy(nm_hbm.at[pl.ds(base, BPW)], nm, so)
        for c in copies:
            c.wait()
        nmc.wait()

        w0 = pltpu.async_copy(
            ra, out_hbm.at[pl.ds(base, BPW), pl.ds(0, EMB)], sa)
        w1 = pltpu.async_copy(
            rh, out_hbm.at[pl.ds(base, BPW), pl.ds(EMB, EMB)], sh)
        w2 = pltpu.async_copy(
            rw, out_hbm.at[pl.ds(base, BPW), pl.ds(2 * EMB, EMB)], sw)
        w3 = pltpu.async_copy(
            nm, out_hbm.at[pl.ds(base, BPW), pl.ds(3 * EMB, 2)], so)
        w0.wait()
        w1.wait()
        w2.wait()
        w3.wait()

    return k


_sc_kernel = None


def kernel(delivery_area_id, order_hour, order_weekday, basket_avg_eur,
           orders_cnt_log, area_table, hour_table, weekday_table):
    global _sc_kernel
    if _sc_kernel is None:
        _sc_kernel = _make_kernel()
    aid = jnp.reshape(delivery_area_id.astype(jnp.int32),
                      (NUM_WORKERS * NCHUNK, CHUNK))
    hr = jnp.reshape(order_hour.astype(jnp.int32), (NUM_WORKERS * NCHUNK, CHUNK))
    wd = jnp.reshape(order_weekday.astype(jnp.int32),
                     (NUM_WORKERS * NCHUNK, CHUNK))
    nm = jnp.stack([jnp.reshape(basket_avg_eur.astype(jnp.float32), (BATCH,)),
                    jnp.reshape(orders_cnt_log.astype(jnp.float32), (BATCH,))],
                   axis=1)
    return _sc_kernel(aid, hr, wd, nm,
                      area_table.astype(jnp.float32),
                      hour_table.astype(jnp.float32),
                      weekday_table.astype(jnp.float32))

# --- scband reference (transcript-rebuilt; emitter-appended) ---
"""Pipeline reference for scband-user-model-v1-8134668059039 (READ-ONLY COPY).

The authoritative reference and input builder live on the scoring server;
editing this copy changes nothing except your own understanding.
"""

import jax, jax.numpy as jnp
import numpy as np

BATCH = 16384
EMB = 16
N_AREAS = 256  # len(unique_area_ids); table rows = 256 + 1 (OOV index 0)
N_HOURS = 24   # table rows = 25
N_WEEKDAYS = 7 # table rows = 8


def setup_inputs(seed: int = 0) -> dict:
    key = jax.random.key(seed)
    k = jax.random.split(key, 8)
    return {
        "delivery_area_id": jax.random.randint(k[0], (BATCH,), 0, N_AREAS, dtype=jnp.int64 if jax.config.jax_enable_x64 else jnp.int32),
        "order_hour": jax.random.randint(k[1], (BATCH,), 0, N_HOURS),
        "order_weekday": jax.random.randint(k[2], (BATCH,), 0, N_WEEKDAYS),
        "basket_avg_eur": jax.random.uniform(k[3], (BATCH, 1), dtype=jnp.float32),
        "orders_cnt_log": jax.random.normal(k[4], (BATCH, 1), dtype=jnp.float32),
        # learned embedding tables sized per keras: Embedding(len(vocab)+1, 16)
        "area_table": jax.random.normal(k[5], (N_AREAS + 1, EMB), dtype=jnp.float32) * 0.05,
        "hour_table": jax.random.normal(k[6], (N_HOURS + 1, EMB), dtype=jnp.float32) * 0.05,
        "weekday_table": jax.random.normal(k[7], (N_WEEKDAYS + 1, EMB), dtype=jnp.float32) * 0.05,
    }


def reference(delivery_area_id, order_hour, order_weekday, basket_avg_eur, orders_cnt_log, area_table, hour_table, weekday_table):
    # IntegerLookup with vocabulary=arange(V) and num_oov_indices=1 maps
    # in-vocab value v -> index v + 1 (index 0 reserved for OOV).
    area_idx = delivery_area_id + 1
    hour_idx = order_hour + 1
    wd_idx = order_weekday + 1
    area_emb = jnp.take(area_table, area_idx, axis=0)       # (B, 16)
    hour_emb = jnp.take(hour_table, hour_idx, axis=0)       # (B, 16)
    wd_emb = jnp.take(weekday_table, wd_idx, axis=0)        # (B, 16)
    # numeric feature towers: Lambda reshape to (-1, 1), cast float32; sorted order
    num_basket = jnp.reshape(basket_avg_eur.astype(jnp.float32), (-1, 1))
    num_orders = jnp.reshape(orders_cnt_log.astype(jnp.float32), (-1, 1))
    # concat in feat_to_partial_tower insertion order:
    # delivery_area_id, order_hour, order_weekday, then sorted numerics
    return jnp.concatenate([area_emb, hour_emb, wd_emb, num_basket, num_orders], axis=1)

if __name__ == "__main__":
    import jax
    _d = setup_inputs()
    print(jax.jit(kernel)(*tuple(_d.values())))

</pallas_src>

<mosaic_0001>
#map = affine_map<(d0, d1) -> (0, 0)>
module attributes {stable_mosaic.version = 14 : i64} {
  func.func @k(%arg0: i32, %arg1: i32, %arg2: memref<128x128xi32, #tpu.memory_space<hbm>>, %arg3: memref<128x128xi32, #tpu.memory_space<hbm>>, %arg4: memref<128x128xi32, #tpu.memory_space<hbm>>, %arg5: memref<16384x2xf32, #tpu.memory_space<hbm>>, %arg6: memref<257x16xf32, #tpu.memory_space<hbm>>, %arg7: memref<25x16xf32, #tpu.memory_space<hbm>>, %arg8: memref<8x16xf32, #tpu.memory_space<hbm>>, %arg9: memref<16384x50xf32, #tpu.memory_space<hbm>>, %arg10: memref<4x128xi32, #tpu.memory_space<vmem>>, %arg11: memref<4x128xi32, #tpu.memory_space<vmem>>, %arg12: memref<4x128xi32, #tpu.memory_space<vmem>>, %arg13: memref<512x16xf32, #tpu.memory_space<vmem>>, %arg14: memref<512x16xf32, #tpu.memory_space<vmem>>, %arg15: memref<512x16xf32, #tpu.memory_space<vmem>>, %arg16: memref<512x2xf32, #tpu.memory_space<vmem>>, %arg17: memref<!tpu.dma_semaphore, #tpu.memory_space<semaphore_mem>>, %arg18: memref<!tpu.dma_semaphore, #tpu.memory_space<semaphore_mem>>, %arg19: memref<!tpu.dma_semaphore, #tpu.memory_space<semaphore_mem>>, %arg20: memref<!tpu.dma_semaphore, #tpu.memory_space<semaphore_mem>>) attributes {dimension_semantics = [#tpu.dimension_semantics<core_parallel>, #tpu.dimension_semantics<subcore_parallel>], iteration_bounds = array<i64: 2, 16>, scalar_prefetch = 0 : i64, scratch_operands = 11 : i64, tpu.core_type = #tpu.core_type<sc_vector_subcore>, window_params = [{transform_indices = #map}, {transform_indices = #map}, {transform_indices = #map}, {transform_indices = #map}, {transform_indices = #map}, {transform_indices = #map}, {transform_indices = #map}, {transform_indices = #map}]} {
    %mul3A = arith.constant 2 : i32
    %mul3A_0 = arith.muli %arg1, %mul3A : i32
    %add3A = arith.addi %mul3A_0, %arg0 : i32
    %mul3A_1 = arith.constant 512 : i32
    %mul3A_2 = arith.muli %add3A, %mul3A_1 : i32
    %mul3A_3 = arith.constant 4 : i32
    %mul3A_4 = arith.muli %add3A, %mul3A_3 : i32
    "tpu.region"() ({
      %run_scoped3A = tpu.sem_alloc : memref<!tpu.dma_semaphore, #tpu.memory_space<semaphore_mem>>
      %dma_start3A_292 = arith.constant 0 : i32
      %dma_start3A_293 = tpu.memref_slice %arg2[%mul3A_4, %dma_start3A_292] : memref<128x128xi32, #tpu.memory_space<hbm>> -> memref<4x128xi32, #tpu.memory_space<hbm>>
      %dma_start3A_294 = arith.constant 0 : i32
      %dma_start3A_295 = tpu.memref_slice %arg2[%mul3A_4, %dma_start3A_294] : memref<128x128xi32, #tpu.memory_space<hbm>> -> memref<4x128xi32, #tpu.memory_space<hbm>>
      tpu.enqueue_dma source(%dma_start3A_295 : memref<4x128xi32, #tpu.memory_space<hbm>>) target(%arg10 : memref<4x128xi32, #tpu.memory_space<vmem>>) target_semaphore(%run_scoped3A : memref<!tpu.dma_semaphore, #tpu.memory_space<semaphore_mem>>)
      %dma_wait3A_296 = arith.constant 0 : i32
      %dma_wait3A_297 = tpu.memref_slice %arg2[%mul3A_4, %dma_wait3A_296] : memref<128x128xi32, #tpu.memory_space<hbm>> -> memref<4x128xi32, #tpu.memory_space<hbm>>
      %dma_wait3A_298 = arith.constant 0 : i32
      %dma_wait3A_299 = tpu.memref_slice %arg2[%mul3A_4, %dma_wait3A_298] : memref<128x128xi32, #tpu.memory_space<hbm>> -> memref<4x128xi32, #tpu.memory_space<hbm>>
      tpu.wait_dma2 semaphore(%run_scoped3A : memref<!tpu.dma_semaphore, #tpu.memory_space<semaphore_mem>>) src(%dma_wait3A_299 : memref<4x128xi32, #tpu.memory_space<hbm>>) dst(%arg10 : memref<4x128xi32, #tpu.memory_space<vmem>>)
      tpu.yield
    }) : () -> ()
    %mul3A_5 = arith.constant 4 : i32
    %mul3A_6 = arith.muli %add3A, %mul3A_5 : i32
    "tpu.region"() ({
      %run_scoped3A = tpu.sem_alloc : memref<!tpu.dma_semaphore, #tpu.memory_space<semaphore_mem>>
      %dma_start3A_292 = arith.constant 0 : i32
      %dma_start3A_293 = tpu.memref_slice %arg3[%mul3A_6, %dma_start3A_292] : memref<128x128xi32, #tpu.memory_space<hbm>> -> memref<4x128xi32, #tpu.memory_space<hbm>>
      %dma_start3A_294 = arith.constant 0 : i32
      %dma_start3A_295 = tpu.memref_slice %arg3[%mul3A_6, %dma_start3A_294] : memref<128x128xi32, #tpu.memory_space<hbm>> -> memref<4x128xi32, #tpu.memory_space<hbm>>
      tpu.enqueue_dma source(%dma_start3A_295 : memref<4x128xi32, #tpu.memory_space<hbm>>) target(%arg11 : memref<4x128xi32, #tpu.memory_space<vmem>>) target_semaphore(%run_scoped3A : memref<!tpu.dma_semaphore, #tpu.memory_space<semaphore_mem>>)
      %dma_wait3A_296 = arith.constant 0 : i32
      %dma_wait3A_297 = tpu.memref_slice %arg3[%mul3A_6, %dma_wait3A_296] : memref<128x128xi32, #tpu.memory_space<hbm>> -> memref<4x128xi32, #tpu.memory_space<hbm>>
      %dma_wait3A_298 = arith.constant 0 : i32
      %dma_wait3A_299 = tpu.memref_slice %arg3[%mul3A_6, %dma_wait3A_298] : memref<128x128xi32, #tpu.memory_space<hbm>> -> memref<4x128xi32, #tpu.memory_space<hbm>>
      tpu.wait_dma2 semaphore(%run_scoped3A : memref<!tpu.dma_semaphore, #tpu.memory_space<semaphore_mem>>) src(%dma_wait3A_299 : memref<4x128xi32, #tpu.memory_space<hbm>>) dst(%arg11 : memref<4x128xi32, #tpu.memory_space<vmem>>)
      tpu.yield
    }) : () -> ()
    %mul3A_7 = arith.constant 4 : i32
    %mul3A_8 = arith.muli %add3A, %mul3A_7 : i32
    "tpu.region"() ({
      %run_scoped3A = tpu.sem_alloc : memref<!tpu.dma_semaphore, #tpu.memory_space<semaphore_mem>>
      %dma_start3A_292 = arith.constant 0 : i32
      %dma_start3A_293 = tpu.memref_slice %arg4[%mul3A_8, %dma_start3A_292] : memref<128x128xi32, #tpu.memory_space<hbm>> -> memref<4x128xi32, #tpu.memory_space<hbm>>
      %dma_start3A_294 = arith.constant 0 : i32
      %dma_start3A_295 = tpu.memref_slice %arg4[%mul3A_8, %dma_start3A_294] : memref<128x128xi32, #tpu.memory_space<hbm>> -> memref<4x128xi32, #tpu.memory_space<hbm>>
      tpu.enqueue_dma source(%dma_start3A_295 : memref<4x128xi32, #tpu.memory_space<hbm>>) target(%arg12 : memref<4x128xi32, #tpu.memory_space<vmem>>) target_semaphore(%run_scoped3A : memref<!tpu.dma_semaphore, #tpu.memory_space<semaphore_mem>>)
      %dma_wait3A_296 = arith.constant 0 : i32
      %dma_wait3A_297 = tpu.memref_slice %arg4[%mul3A_8, %dma_wait3A_296] : memref<128x128xi32, #tpu.memory_space<hbm>> -> memref<4x128xi32, #tpu.memory_space<hbm>>
      %dma_wait3A_298 = arith.constant 0 : i32
      %dma_wait3A_299 = tpu.memref_slice %arg4[%mul3A_8, %dma_wait3A_298] : memref<128x128xi32, #tpu.memory_space<hbm>> -> memref<4x128xi32, #tpu.memory_space<hbm>>
      tpu.wait_dma2 semaphore(%run_scoped3A : memref<!tpu.dma_semaphore, #tpu.memory_space<semaphore_mem>>) src(%dma_wait3A_299 : memref<4x128xi32, #tpu.memory_space<hbm>>) dst(%arg12 : memref<4x128xi32, #tpu.memory_space<vmem>>)
      tpu.yield
    }) : () -> ()
    %scan3A = arith.constant 0 : i32
    %scan3A_9 = arith.constant 0 : i32
    %scan3A_10 = arith.constant 8 : i32
    %scan3A_11 = arith.addi %scan3A_9, %scan3A_10 : i32
    %scan3A_12 = arith.constant 1 : i32
    scf.for %scan3A_292 = %scan3A_9 to %scan3A_11 step %scan3A_12  : i32 {
      %mul3A_293 = arith.constant 16 : i32
      %mul3A_294 = arith.muli %scan3A_292, %mul3A_293 : i32
      %get3A = arith.constant 0 : i32
      %get3A_295 = arith.index_cast %get3A : i32 to index
      %get3A_296 = arith.index_cast %mul3A_294 : i32 to index
      %get3A_297 = tpu.vector_load %arg10[%get3A_295, %get3A_296] {strides = array<i32>} : memref<4x128xi32, #tpu.memory_space<vmem>>, vector<1x16xi32>,
      %get3A_298 = vector.shape_cast %get3A_297 : vector<1x16xi32> to vector<16xi32>
      %add3A_299 = arith.constant 1 : i32
      %add3A_300 = vector.broadcast %add3A_299 : i32 to vector<16xi32>
      %add3A_301 = arith.addi %get3A_298, %add3A_300 : vector<16xi32>
      %mul3A_302 = arith.constant 16 : i32
      %mul3A_303 = arith.muli %scan3A_292, %mul3A_302 : i32
      %swap3A = arith.constant 0 : i32
      %swap3A_304 = arith.index_cast %swap3A : i32 to index
      %swap3A_305 = arith.index_cast %mul3A_303 : i32 to index
      %swap3A_306 = tpu.vector_load %arg10[%swap3A_304, %swap3A_305] {strides = array<i32>} : memref<4x128xi32, #tpu.memory_space<vmem>>, vector<1x16xi32>,
      %swap3A_307 = vector.shape_cast %swap3A_306 : vector<1x16xi32> to vector<16xi32>
      %swap3A_308 = vector.shape_cast %add3A_301 : vector<16xi32> to vector<1x16xi32>
      tpu.vector_store %arg10[%swap3A_304, %swap3A_305], %swap3A_308 {strides = array<i32>} : memref<4x128xi32, #tpu.memory_space<vmem>>, vector<1x16xi32>,
      %mul3A_309 = arith.constant 16 : i32
      %mul3A_310 = arith.muli %scan3A_292, %mul3A_309 : i32
      %get3A_311 = arith.constant 0 : i32
      %get3A_312 = arith.index_cast %get3A_311 : i32 to index
      %get3A_313 = arith.index_cast %mul3A_310 : i32 to index
      %get3A_314 = tpu.vector_load %arg11[%get3A_312, %get3A_313] {strides = array<i32>} : memref<4x128xi32, #tpu.memory_space<vmem>>, vector<1x16xi32>,
      %get3A_315 = vector.shape_cast %get3A_314 : vector<1x16xi32> to vector<16xi32>
      %add3A_316 = arith.constant 1 : i32
      %add3A_317 = vector.broadcast %add3A_316 : i32 to vector<16xi32>
      %add3A_318 = arith.addi %get3A_315, %add3A_317 : vector<16xi32>
      %mul3A_319 = arith.constant 16 : i32
      %mul3A_320 = arith.muli %scan3A_292, %mul3A_319 : i32
      %swap3A_321 = arith.constant 0 : i32
      %swap3A_322 = arith.index_cast %swap3A_321 : i32 to index
      %swap3A_323 = arith.index_cast %mul3A_320 : i32 to index
      %swap3A_324 = tpu.vector_load %arg11[%swap3A_322, %swap3A_323] {strides = array<i32>} : memref<4x128xi32, #tpu.memory_space<vmem>>, vector<1x16xi32>,
      %swap3A_325 = vector.shape_cast %swap3A_324 : vector<1x16xi32> to vector<16xi32>
      %swap3A_326 = vector.shape_cast %add3A_318 : vector<16xi32> to vector<1x16xi32>
      tpu.vector_store %arg11[%swap3A_322, %swap3A_323], %swap3A_326 {strides = array<i32>} : memref<4x128xi32, #tpu.memory_space<vmem>>, vector<1x16xi32>,
      %mul3A_327 = arith.constant 16 : i32
      %mul3A_328 = arith.muli %scan3A_292, %mul3A_327 : i32
      %get3A_329 = arith.constant 0 : i32
      %get3A_330 = arith.index_cast %get3A_329 : i32 to index
      %get3A_331 = arith.index_cast %mul3A_328 : i32 to index
      %get3A_332 = tpu.vector_load %arg12[%get3A_330, %get3A_331] {strides = array<i32>} : memref<4x128xi32, #tpu.memory_space<vmem>>, vector<1x16xi32>,
      %get3A_333 = vector.shape_cast %get3A_332 : vector<1x16xi32> to vector<16xi32>
      %add3A_334 = arith.constant 1 : i32
      %add3A_335 = vector.broadcast %add3A_334 : i32 to vector<16xi32>
      %add3A_336 = arith.addi %get3A_333, %add3A_335 : vector<16xi32>
      %mul3A_337 = arith.constant 16 : i32
      %mul3A_338 = arith.muli %scan3A_292, %mul3A_337 : i32
      %swap3A_339 = arith.constant 0 : i32
      %swap3A_340 = arith.index_cast %swap3A_339 : i32 to index
      %swap3A_341 = arith.index_cast %mul3A_338 : i32 to index
      %swap3A_342 = tpu.vector_load %arg12[%swap3A_340, %swap3A_341] {strides = array<i32>} : memref<4x128xi32, #tpu.memory_space<vmem>>, vector<1x16xi32>,
      %swap3A_343 = vector.shape_cast %swap3A_342 : vector<1x16xi32> to vector<16xi32>
      %swap3A_344 = vector.shape_cast %add3A_336 : vector<16xi32> to vector<1x16xi32>
      tpu.vector_store %arg12[%swap3A_340, %swap3A_341], %swap3A_344 {strides = array<i32>} : memref<4x128xi32, #tpu.memory_space<vmem>>, vector<1x16xi32>,
      %mul3A_345 = arith.constant 16 : i32
      %mul3A_346 = arith.muli %scan3A_292, %mul3A_345 : i32
      %get3A_347 = arith.constant 1 : i32
      %get3A_348 = arith.index_cast %get3A_347 : i32 to index
      %get3A_349 = arith.index_cast %mul3A_346 : i32 to index
      %get3A_350 = tpu.vector_load %arg10[%get3A_348, %get3A_349] {strides = array<i32>} : memref<4x128xi32, #tpu.memory_space<vmem>>, vector<1x16xi32>,
      %get3A_351 = vector.shape_cast %get3A_350 : vector<1x16xi32> to vector<16xi32>
      %add3A_352 = arith.constant 1 : i32
      %add3A_353 = vector.broadcast %add3A_352 : i32 to vector<16xi32>
      %add3A_354 = arith.addi %get3A_351, %add3A_353 : vector<16xi32>
      %mul3A_355 = arith.constant 16 : i32
      %mul3A_356 = arith.muli %scan3A_292, %mul3A_355 : i32
      %swap3A_357 = arith.constant 1 : i32
      %swap3A_358 = arith.index_cast %swap3A_357 : i32 to index
      %swap3A_359 = arith.index_cast %mul3A_356 : i32 to index
      %swap3A_360 = tpu.vector_load %arg10[%swap3A_358, %swap3A_359] {strides = array<i32>} : memref<4x128xi32, #tpu.memory_space<vmem>>, vector<1x16xi32>,
      %swap3A_361 = vector.shape_cast %swap3A_360 : vector<1x16xi32> to vector<16xi32>
      %swap3A_362 = vector.shape_cast %add3A_354 : vector<16xi32> to vector<1x16xi32>
      tpu.vector_store %arg10[%swap3A_358, %swap3A_359], %swap3A_362 {strides = array<i32>} : memref<4x128xi32, #tpu.memory_space<vmem>>, vector<1x16xi32>,
      %mul3A_363 = arith.constant 16 : i32
      %mul3A_364 = arith.muli %scan3A_292, %mul3A_363 : i32
      %get3A_365 = arith.constant 1 : i32
      %get3A_366 = arith.index_cast %get3A_365 : i32 to index
      %get3A_367 = arith.index_cast %mul3A_364 : i32 to index
      %get3A_368 = tpu.vector_load %arg11[%get3A_366, %get3A_367] {strides = array<i32>} : memref<4x128xi32, #tpu.memory_space<vmem>>, vector<1x16xi32>,
      %get3A_369 = vector.shape_cast %get3A_368 : vector<1x16xi32> to vector<16xi32>
      %add3A_370 = arith.constant 1 : i32
      %add3A_371 = vector.broadcast %add3A_370 : i32 to vector<16xi32>
      %add3A_372 = arith.addi %get3A_369, %add3A_371 : vector<16xi32>
      %mul3A_373 = arith.constant 16 : i32
      %mul3A_374 = arith.muli %scan3A_292, %mul3A_373 : i32
      %swap3A_375 = arith.constant 1 : i32
      %swap3A_376 = arith.index_cast %swap3A_375 : i32 to index
      %swap3A_377 = arith.index_cast %mul3A_374 : i32 to index
      %swap3A_378 = tpu.vector_load %arg11[%swap3A_376, %swap3A_377] {strides = array<i32>} : memref<4x128xi32, #tpu.memory_space<vmem>>, vector<1x16xi32>,
      %swap3A_379 = vector.shape_cast %swap3A_378 : vector<1x16xi32> to vector<16xi32>
      %swap3A_380 = vector.shape_cast %add3A_372 : vector<16xi32> to vector<1x16xi32>
      tpu.vector_store %arg11[%swap3A_376, %swap3A_377], %swap3A_380 {strides = array<i32>} : memref<4x128xi32, #tpu.memory_space<vmem>>, vector<1x16xi32>,
      %mul3A_381 = arith.constant 16 : i32
      %mul3A_382 = arith.muli %scan3A_292, %mul3A_381 : i32
      %get3A_383 = arith.constant 1 : i32
      %get3A_384 = arith.index_cast %get3A_383 : i32 to index
      %get3A_385 = arith.index_cast %mul3A_382 : i32 to index
      %get3A_386 = tpu.vector_load %arg12[%get3A_384, %get3A_385] {strides = array<i32>} : memref<4x128xi32, #tpu.memory_space<vmem>>, vector<1x16xi32>,
      %get3A_387 = vector.shape_cast %get3A_386 : vector<1x16xi32> to vector<16xi32>
      %add3A_388 = arith.constant 1 : i32
      %add3A_389 = vector.broadcast %add3A_388 : i32 to vector<16xi32>
      %add3A_390 = arith.addi %get3A_387, %add3A_389 : vector<16xi32>
      %mul3A_391 = arith.constant 16 : i32
      %mul3A_392 = arith.muli %scan3A_292, %mul3A_391 : i32
      %swap3A_393 = arith.constant 1 : i32
      %swap3A_394 = arith.index_cast %swap3A_393 : i32 to index
      %swap3A_395 = arith.index_cast %mul3A_392 : i32 to index
      %swap3A_396 = tpu.vector_load %arg12[%swap3A_394, %swap3A_395] {strides = array<i32>} : memref<4x128xi32, #tpu.memory_space<vmem>>, vector<1x16xi32>,
      %swap3A_397 = vector.shape_cast %swap3A_396 : vector<1x16xi32> to vector<16xi32>
      %swap3A_398 = vector.shape_cast %add3A_390 : vector<16xi32> to vector<1x16xi32>
      tpu.vector_store %arg12[%swap3A_394, %swap3A_395], %swap3A_398 {strides = array<i32>} : memref<4x128xi32, #tpu.memory_space<vmem>>, vector<1x16xi32>,
      %mul3A_399 = arith.constant 16 : i32
      %mul3A_400 = arith.muli %scan3A_292, %mul3A_399 : i32
      %get3A_401 = arith.constant 2 : i32
      %get3A_402 = arith.index_cast %get3A_401 : i32 to index
      %get3A_403 = arith.index_cast %mul3A_400 : i32 to index
      %get3A_404 = tpu.vector_load %arg10[%get3A_402, %get3A_403] {strides = array<i32>} : memref<4x128xi32, #tpu.memory_space<vmem>>, vector<1x16xi32>,
      %get3A_405 = vector.shape_cast %get3A_404 : vector<1x16xi32> to vector<16xi32>
      %add3A_406 = arith.constant 1 : i32
      %add3A_407 = vector.broadcast %add3A_406 : i32 to vector<16xi32>
      %add3A_408 = arith.addi %get3A_405, %add3A_407 : vector<16xi32>
      %mul3A_409 = arith.constant 16 : i32
      %mul3A_410 = arith.muli %scan3A_292, %mul3A_409 : i32
      %swap3A_411 = arith.constant 2 : i32
      %swap3A_412 = arith.index_cast %swap3A_411 : i32 to index
      %swap3A_413 = arith.index_cast %mul3A_410 : i32 to index
      %swap3A_414 = tpu.vector_load %arg10[%swap3A_412, %swap3A_413] {strides = array<i32>} : memref<4x128xi32, #tpu.memory_space<vmem>>, vector<1x16xi32>,
      %swap3A_415 = vector.shape_cast %swap3A_414 : vector<1x16xi32> to vector<16xi32>
      %swap3A_416 = vector.shape_cast %add3A_408 : vector<16xi32> to vector<1x16xi32>
      tpu.vector_store %arg10[%swap3A_412, %swap3A_413], %swap3A_416 {strides = array<i32>} : memref<4x128xi32, #tpu.memory_space<vmem>>, vector<1x16xi32>,
      %mul3A_417 = arith.constant 16 : i32
      %mul3A_418 = arith.muli %scan3A_292, %mul3A_417 : i32
      %get3A_419 = arith.constant 2 : i32
      %get3A_420 = arith.index_cast %get3A_419 : i32 to index
      %get3A_421 = arith.index_cast %mul3A_418 : i32 to index
      %get3A_422 = tpu.vector_load %arg11[%get3A_420, %get3A_421] {strides = array<i32>} : memref<4x128xi32, #tpu.memory_space<vmem>>, vector<1x16xi32>,
      %get3A_423 = vector.shape_cast %get3A_422 : vector<1x16xi32> to vector<16xi32>
      %add3A_424 = arith.constant 1 : i32
      %add3A_425 = vector.broadcast %add3A_424 : i32 to vector<16xi32>
      %add3A_426 = arith.addi %get3A_423, %add3A_425 : vector<16xi32>
      %mul3A_427 = arith.constant 16 : i32
      %mul3A_428 = arith.muli %scan3A_292, %mul3A_427 : i32
      %swap3A_429 = arith.constant 2 : i32
      %swap3A_430 = arith.index_cast %swap3A_429 : i32 to index
      %swap3A_431 = arith.index_cast %mul3A_428 : i32 to index
      %swap3A_432 = tpu.vector_load %arg11[%swap3A_430, %swap3A_431] {strides = array<i32>} : memref<4x128xi32, #tpu.memory_space<vmem>>, vector<1x16xi32>,
      %swap3A_433 = vector.shape_cast %swap3A_432 : vector<1x16xi32> to vector<16xi32>
      %swap3A_434 = vector.shape_cast %add3A_426 : vector<16xi32> to vector<1x16xi32>
      tpu.vector_store %arg11[%swap3A_430, %swap3A_431], %swap3A_434 {strides = array<i32>} : memref<4x128xi32, #tpu.memory_space<vmem>>, vector<1x16xi32>,
      %mul3A_435 = arith.constant 16 : i32
      %mul3A_436 = arith.muli %scan3A_292, %mul3A_435 : i32
      %get3A_437 = arith.constant 2 : i32
      %get3A_438 = arith.index_cast %get3A_437 : i32 to index
      %get3A_439 = arith.index_cast %mul3A_436 : i32 to index
      %get3A_440 = tpu.vector_load %arg12[%get3A_438, %get3A_439] {strides = array<i32>} : memref<4x128xi32, #tpu.memory_space<vmem>>, vector<1x16xi32>,
      %get3A_441 = vector.shape_cast %get3A_440 : vector<1x16xi32> to vector<16xi32>
      %add3A_442 = arith.constant 1 : i32
      %add3A_443 = vector.broadcast %add3A_442 : i32 to vector<16xi32>
      %add3A_444 = arith.addi %get3A_441, %add3A_443 : vector<16xi32>
      %mul3A_445 = arith.constant 16 : i32
      %mul3A_446 = arith.muli %scan3A_292, %mul3A_445 : i32
      %swap3A_447 = arith.constant 2 : i32
      %swap3A_448 = arith.index_cast %swap3A_447 : i32 to index
      %swap3A_449 = arith.index_cast %mul3A_446 : i32 to index
      %swap3A_450 = tpu.vector_load %arg12[%swap3A_448, %swap3A_449] {strides = array<i32>} : memref<4x128xi32, #tpu.memory_space<vmem>>, vector<1x16xi32>,
      %swap3A_451 = vector.shape_cast %swap3A_450 : vector<1x16xi32> to vector<16xi32>
      %swap3A_452 = vector.shape_cast %add3A_444 : vector<16xi32> to vector<1x16xi32>
      tpu.vector_store %arg12[%swap3A_448, %swap3A_449], %swap3A_452 {strides = array<i32>} : memref<4x128xi32, #tpu.memory_space<vmem>>, vector<1x16xi32>,
      %mul3A_453 = arith.constant 16 : i32
      %mul3A_454 = arith.muli %scan3A_292, %mul3A_453 : i32
      %get3A_455 = arith.constant 3 : i32
      %get3A_456 = arith.index_cast %get3A_455 : i32 to index
      %get3A_457 = arith.index_cast %mul3A_454 : i32 to index
      %get3A_458 = tpu.vector_load %arg10[%get3A_456, %get3A_457] {strides = array<i32>} : memref<4x128xi32, #tpu.memory_space<vmem>>, vector<1x16xi32>,
      %get3A_459 = vector.shape_cast %get3A_458 : vector<1x16xi32> to vector<16xi32>
      %add3A_460 = arith.constant 1 : i32
      %add3A_461 = vector.broadcast %add3A_460 : i32 to vector<16xi32>
      %add3A_462 = arith.addi %get3A_459, %add3A_461 : vector<16xi32>
      %mul3A_463 = arith.constant 16 : i32
      %mul3A_464 = arith.muli %scan3A_292, %mul3A_463 : i32
      %swap3A_465 = arith.constant 3 : i32
      %swap3A_466 = arith.index_cast %swap3A_465 : i32 to index
      %swap3A_467 = arith.index_cast %mul3A_464 : i32 to index
      %swap3A_468 = tpu.vector_load %arg10[%swap3A_466, %swap3A_467] {strides = array<i32>} : memref<4x128xi32, #tpu.memory_space<vmem>>, vector<1x16xi32>,
      %swap3A_469 = vector.shape_cast %swap3A_468 : vector<1x16xi32> to vector<16xi32>
      %swap3A_470 = vector.shape_cast %add3A_462 : vector<16xi32> to vector<1x16xi32>
      tpu.vector_store %arg10[%swap3A_466, %swap3A_467], %swap3A_470 {strides = array<i32>} : memref<4x128xi32, #tpu.memory_space<vmem>>, vector<1x16xi32>,
      %mul3A_471 = arith.constant 16 : i32
      %mul3A_472 = arith.muli %scan3A_292, %mul3A_471 : i32
      %get3A_473 = arith.constant 3 : i32
      %get3A_474 = arith.index_cast %get3A_473 : i32 to index
      %get3A_475 = arith.index_cast %mul3A_472 : i32 to index
      %get3A_476 = tpu.vector_load %arg11[%get3A_474, %get3A_475] {strides = array<i32>} : memref<4x128xi32, #tpu.memory_space<vmem>>, vector<1x16xi32>,
      %get3A_477 = vector.shape_cast %get3A_476 : vector<1x16xi32> to vector<16xi32>
      %add3A_478 = arith.constant 1 : i32
      %add3A_479 = vector.broadcast %add3A_478 : i32 to vector<16xi32>
      %add3A_480 = arith.addi %get3A_477, %add3A_479 : vector<16xi32>
      %mul3A_481 = arith.constant 16 : i32
      %mul3A_482 = arith.muli %scan3A_292, %mul3A_481 : i32
      %swap3A_483 = arith.constant 3 : i32
      %swap3A_484 = arith.index_cast %swap3A_483 : i32 to index
      %swap3A_485 = arith.index_cast %mul3A_482 : i32 to index
      %swap3A_486 = tpu.vector_load %arg11[%swap3A_484, %swap3A_485] {strides = array<i32>} : memref<4x128xi32, #tpu.memory_space<vmem>>, vector<1x16xi32>,
      %swap3A_487 = vector.shape_cast %swap3A_486 : vector<1x16xi32> to vector<16xi32>
      %swap3A_488 = vector.shape_cast %add3A_480 : vector<16xi32> to vector<1x16xi32>
      tpu.vector_store %arg11[%swap3A_484, %swap3A_485], %swap3A_488 {strides = array<i32>} : memref<4x128xi32, #tpu.memory_space<vmem>>, vector<1x16xi32>,
      %mul3A_489 = arith.constant 16 : i32
      %mul3A_490 = arith.muli %scan3A_292, %mul3A_489 : i32
      %get3A_491 = arith.constant 3 : i32
      %get3A_492 = arith.index_cast %get3A_491 : i32 to index
      %get3A_493 = arith.index_cast %mul3A_490 : i32 to index
      %get3A_494 = tpu.vector_load %arg12[%get3A_492, %get3A_493] {strides = array<i32>} : memref<4x128xi32, #tpu.memory_space<vmem>>, vector<1x16xi32>,
      %get3A_495 = vector.shape_cast %get3A_494 : vector<1x16xi32> to vector<16xi32>
      %add3A_496 = arith.constant 1 : i32
      %add3A_497 = vector.broadcast %add3A_496 : i32 to vector<16xi32>
      %add3A_498 = arith.addi %get3A_495, %add3A_497 : vector<16xi32>
      %mul3A_499 = arith.constant 16 : i32
      %mul3A_500 = arith.muli %scan3A_292, %mul3A_499 : i32
      %swap3A_501 = arith.constant 3 : i32
      %swap3A_502 = arith.index_cast %swap3A_501 : i32 to index
      %swap3A_503 = arith.index_cast %mul3A_500 : i32 to index
      %swap3A_504 = tpu.vector_load %arg12[%swap3A_502, %swap3A_503] {strides = array<i32>} : memref<4x128xi32, #tpu.memory_space<vmem>>, vector<1x16xi32>,
      %swap3A_505 = vector.shape_cast %swap3A_504 : vector<1x16xi32> to vector<16xi32>
      %swap3A_506 = vector.shape_cast %add3A_498 : vector<16xi32> to vector<1x16xi32>
      tpu.vector_store %arg12[%swap3A_502, %swap3A_503], %swap3A_506 {strides = array<i32>} : memref<4x128xi32, #tpu.memory_space<vmem>>, vector<1x16xi32>,
    }
    %scan3A_13 = arith.constant 8 : i32
    %dma_start3A = arith.constant 0 : i32
    %dma_start3A_14 = arith.constant 0 : i32
    %dma_start3A_15 = arith.constant 0 : i32
    %dma_start3A_16 = tpu.memref_slice %arg13[%dma_start3A_14, %dma_start3A_15] : memref<512x16xf32, #tpu.memory_space<vmem>> -> memref<128x16xf32, #tpu.memory_space<vmem>>
    %dma_start3A_17 = arith.constant 0 : i32
    %dma_start3A_18 = tpu.memref_slice %arg10[%dma_start3A, %dma_start3A_17] : memref<4x128xi32, #tpu.memory_space<vmem>> -> memref<1x128xi32, #tpu.memory_space<vmem>>
    %dma_start3A_19 = tpu.memref_squeeze %dma_start3A_18 : memref<1x128xi32, #tpu.memory_space<vmem>> -> memref<128xi32, #tpu.memory_space<vmem>>
    %dma_start3A_20 = arith.constant 0 : i32
    %dma_start3A_21 = arith.constant 0 : i32
    %dma_start3A_22 = tpu.memref_slice %arg6[%dma_start3A_20, %dma_start3A_21] : memref<257x16xf32, #tpu.memory_space<hbm>> -> memref<257x16xf32, #tpu.memory_space<hbm>>
    tpu.enqueue_indirect_dma source(%dma_start3A_22 : memref<257x16xf32, #tpu.memory_space<hbm>>) target(%dma_start3A_16 : memref<128x16xf32, #tpu.memory_space<vmem>>) offsets(%dma_start3A_19 : memref<128xi32, #tpu.memory_space<vmem>>) semaphore(%arg17 : memref<!tpu.dma_semaphore, #tpu.memory_space<semaphore_mem>>)
    %dma_start3A_23 = arith.constant 0 : i32
    %dma_start3A_24 = arith.constant 0 : i32
    %dma_start3A_25 = arith.constant 0 : i32
    %dma_start3A_26 = tpu.memref_slice %arg14[%dma_start3A_24, %dma_start3A_25] : memref<512x16xf32, #tpu.memory_space<vmem>> -> memref<128x16xf32, #tpu.memory_space<vmem>>
    %dma_start3A_27 = arith.constant 0 : i32
    %dma_start3A_28 = tpu.memref_slice %arg11[%dma_start3A_23, %dma_start3A_27] : memref<4x128xi32, #tpu.memory_space<vmem>> -> memref<1x128xi32, #tpu.memory_space<vmem>>
    %dma_start3A_29 = tpu.memref_squeeze %dma_start3A_28 : memref<1x128xi32, #tpu.memory_space<vmem>> -> memref<128xi32, #tpu.memory_space<vmem>>
    %dma_start3A_30 = arith.constant 0 : i32
    %dma_start3A_31 = arith.constant 0 : i32
    %dma_start3A_32 = tpu.memref_slice %arg7[%dma_start3A_30, %dma_start3A_31] : memref<25x16xf32, #tpu.memory_space<hbm>> -> memref<25x16xf32, #tpu.memory_space<hbm>>
    tpu.enqueue_indirect_dma source(%dma_start3A_32 : memref<25x16xf32, #tpu.memory_space<hbm>>) target(%dma_start3A_26 : memref<128x16xf32, #tpu.memory_space<vmem>>) offsets(%dma_start3A_29 : memref<128xi32, #tpu.memory_space<vmem>>) semaphore(%arg18 : memref<!tpu.dma_semaphore, #tpu.memory_space<semaphore_mem>>)
    %dma_start3A_33 = arith.constant 0 : i32
    %dma_start3A_34 = arith.constant 0 : i32
    %dma_start3A_35 = arith.constant 0 : i32
    %dma_start3A_36 = tpu.memref_slice %arg15[%dma_start3A_34, %dma_start3A_35] : memref<512x16xf32, #tpu.memory_space<vmem>> -> memref<128x16xf32, #tpu.memory_space<vmem>>
    %dma_start3A_37 = arith.constant 0 : i32
    %dma_start3A_38 = tpu.memref_slice %arg12[%dma_start3A_33, %dma_start3A_37] : memref<4x128xi32, #tpu.memory_space<vmem>> -> memref<1x128xi32, #tpu.memory_space<vmem>>
    %dma_start3A_39 = tpu.memref_squeeze %dma_start3A_38 : memref<1x128xi32, #tpu.memory_space<vmem>> -> memref<128xi32, #tpu.memory_space<vmem>>
    %dma_start3A_40 = arith.constant 0 : i32
    %dma_start3A_41 = arith.constant 0 : i32
    %dma_start3A_42 = tpu.memref_slice %arg8[%dma_start3A_40, %dma_start3A_41] : memref<8x16xf32, #tpu.memory_space<hbm>> -> memref<8x16xf32, #tpu.memory_space<hbm>>
    tpu.enqueue_indirect_dma source(%dma_start3A_42 : memref<8x16xf32, #tpu.memory_space<hbm>>) target(%dma_start3A_36 : memref<128x16xf32, #tpu.memory_space<vmem>>) offsets(%dma_start3A_39 : memref<128xi32, #tpu.memory_space<vmem>>) semaphore(%arg19 : memref<!tpu.dma_semaphore, #tpu.memory_space<semaphore_mem>>)
    %dma_start3A_43 = arith.constant 1 : i32
    %dma_start3A_44 = arith.constant 128 : i32
    %dma_start3A_45 = arith.constant 0 : i32
    %dma_start3A_46 = tpu.memref_slice %arg13[%dma_start3A_44, %dma_start3A_45] : memref<512x16xf32, #tpu.memory_space<vmem>> -> memref<128x16xf32, #tpu.memory_space<vmem>>
    %dma_start3A_47 = arith.constant 0 : i32
    %dma_start3A_48 = tpu.memref_slice %arg10[%dma_start3A_43, %dma_start3A_47] : memref<4x128xi32, #tpu.memory_space<vmem>> -> memref<1x128xi32, #tpu.memory_space<vmem>>
    %dma_start3A_49 = tpu.memref_squeeze %dma_start3A_48 : memref<1x128xi32, #tpu.memory_space<vmem>> -> memref<128xi32, #tpu.memory_space<vmem>>
    %dma_start3A_50 = arith.constant 0 : i32
    %dma_start3A_51 = arith.constant 0 : i32
    %dma_start3A_52 = tpu.memref_slice %arg6[%dma_start3A_50, %dma_start3A_51] : memref<257x16xf32, #tpu.memory_space<hbm>> -> memref<257x16xf32, #tpu.memory_space<hbm>>
    tpu.enqueue_indirect_dma source(%dma_start3A_52 : memref<257x16xf32, #tpu.memory_space<hbm>>) target(%dma_start3A_46 : memref<128x16xf32, #tpu.memory_space<vmem>>) offsets(%dma_start3A_49 : memref<128xi32, #tpu.memory_space<vmem>>) semaphore(%arg17 : memref<!tpu.dma_semaphore, #tpu.memory_space<semaphore_mem>>)
    %dma_start3A_53 = arith.constant 1 : i32
    %dma_start3A_54 = arith.constant 128 : i32
    %dma_start3A_55 = arith.constant 0 : i32
    %dma_start3A_56 = tpu.memref_slice %arg14[%dma_start3A_54, %dma_start3A_55] : memref<512x16xf32, #tpu.memory_space<vmem>> -> memref<128x16xf32, #tpu.memory_space<vmem>>
    %dma_start3A_57 = arith.constant 0 : i32
    %dma_start3A_58 = tpu.memref_slice %arg11[%dma_start3A_53, %dma_start3A_57] : memref<4x128xi32, #tpu.memory_space<vmem>> -> memref<1x128xi32, #tpu.memory_space<vmem>>
    %dma_start3A_59 = tpu.memref_squeeze %dma_start3A_58 : memref<1x128xi32, #tpu.memory_space<vmem>> -> memref<128xi32, #tpu.memory_space<vmem>>
    %dma_start3A_60 = arith.constant 0 : i32
    %dma_start3A_61 = arith.constant 0 : i32
    %dma_start3A_62 = tpu.memref_slice %arg7[%dma_start3A_60, %dma_start3A_61] : memref<25x16xf32, #tpu.memory_space<hbm>> -> memref<25x16xf32, #tpu.memory_space<hbm>>
    tpu.enqueue_indirect_dma source(%dma_start3A_62 : memref<25x16xf32, #tpu.memory_space<hbm>>) target(%dma_start3A_56 : memref<128x16xf32, #tpu.memory_space<vmem>>) offsets(%dma_start3A_59 : memref<128xi32, #tpu.memory_space<vmem>>) semaphore(%arg18 : memref<!tpu.dma_semaphore, #tpu.memory_space<semaphore_mem>>)
    %dma_start3A_63 = arith.constant 1 : i32
    %dma_start3A_64 = arith.constant 128 : i32
    %dma_start3A_65 = arith.constant 0 : i32
    %dma_start3A_66 = tpu.memref_slice %arg15[%dma_start3A_64, %dma_start3A_65] : memref<512x16xf32, #tpu.memory_space<vmem>> -> memref<128x16xf32, #tpu.memory_space<vmem>>
    %dma_start3A_67 = arith.constant 0 : i32
    %dma_start3A_68 = tpu.memref_slice %arg12[%dma_start3A_63, %dma_start3A_67] : memref<4x128xi32, #tpu.memory_space<vmem>> -> memref<1x128xi32, #tpu.memory_space<vmem>>
    %dma_start3A_69 = tpu.memref_squeeze %dma_start3A_68 : memref<1x128xi32, #tpu.memory_space<vmem>> -> memref<128xi32, #tpu.memory_space<vmem>>
    %dma_start3A_70 = arith.constant 0 : i32
    %dma_start3A_71 = arith.constant 0 : i32
    %dma_start3A_72 = tpu.memref_slice %arg8[%dma_start3A_70, %dma_start3A_71] : memref<8x16xf32, #tpu.memory_space<hbm>> -> memref<8x16xf32, #tpu.memory_space<hbm>>
    tpu.enqueue_indirect_dma source(%dma_start3A_72 : memref<8x16xf32, #tpu.memory_space<hbm>>) target(%dma_start3A_66 : memref<128x16xf32, #tpu.memory_space<vmem>>) offsets(%dma_start3A_69 : memref<128xi32, #tpu.memory_space<vmem>>) semaphore(%arg19 : memref<!tpu.dma_semaphore, #tpu.memory_space<semaphore_mem>>)
    %dma_start3A_73 = arith.constant 2 : i32
    %dma_start3A_74 = arith.constant 256 : i32
    %dma_start3A_75 = arith.constant 0 : i32
    %dma_start3A_76 = tpu.memref_slice %arg13[%dma_start3A_74, %dma_start3A_75] : memref<512x16xf32, #tpu.memory_space<vmem>> -> memref<128x16xf32, #tpu.memory_space<vmem>>
    %dma_start3A_77 = arith.constant 0 : i32
    %dma_start3A_78 = tpu.memref_slice %arg10[%dma_start3A_73, %dma_start3A_77] : memref<4x128xi32, #tpu.memory_space<vmem>> -> memref<1x128xi32, #tpu.memory_space<vmem>>
    %dma_start3A_79 = tpu.memref_squeeze %dma_start3A_78 : memref<1x128xi32, #tpu.memory_space<vmem>> -> memref<128xi32, #tpu.memory_space<vmem>>
    %dma_start3A_80 = arith.constant 0 : i32
    %dma_start3A_81 = arith.constant 0 : i32
    %dma_start3A_82 = tpu.memref_slice %arg6[%dma_start3A_80, %dma_start3A_81] : memref<257x16xf32, #tpu.memory_space<hbm>> -> memref<257x16xf32, #tpu.memory_space<hbm>>
    tpu.enqueue_indirect_dma source(%dma_start3A_82 : memref<257x16xf32, #tpu.memory_space<hbm>>) target(%dma_start3A_76 : memref<128x16xf32, #tpu.memory_space<vmem>>) offsets(%dma_start3A_79 : memref<128xi32, #tpu.memory_space<vmem>>) semaphore(%arg17 : memref<!tpu.dma_semaphore, #tpu.memory_space<semaphore_mem>>)
    %dma_start3A_83 = arith.constant 2 : i32
    %dma_start3A_84 = arith.constant 256 : i32
    %dma_start3A_85 = arith.constant 0 : i32
    %dma_start3A_86 = tpu.memref_slice %arg14[%dma_start3A_84, %dma_start3A_85] : memref<512x16xf32, #tpu.memory_space<vmem>> -> memref<128x16xf32, #tpu.memory_space<vmem>>
    %dma_start3A_87 = arith.constant 0 : i32
    %dma_start3A_88 = tpu.memref_slice %arg11[%dma_start3A_83, %dma_start3A_87] : memref<4x128xi32, #tpu.memory_space<vmem>> -> memref<1x128xi32, #tpu.memory_space<vmem>>
    %dma_start3A_89 = tpu.memref_squeeze %dma_start3A_88 : memref<1x128xi32, #tpu.memory_space<vmem>> -> memref<128xi32, #tpu.memory_space<vmem>>
    %dma_start3A_90 = arith.constant 0 : i32
    %dma_start3A_91 = arith.constant 0 : i32
    %dma_start3A_92 = tpu.memref_slice %arg7[%dma_start3A_90, %dma_start3A_91] : memref<25x16xf32, #tpu.memory_space<hbm>> -> memref<25x16xf32, #tpu.memory_space<hbm>>
    tpu.enqueue_indirect_dma source(%dma_start3A_92 : memref<25x16xf32, #tpu.memory_space<hbm>>) target(%dma_start3A_86 : memref<128x16xf32, #tpu.memory_space<vmem>>) offsets(%dma_start3A_89 : memref<128xi32, #tpu.memory_space<vmem>>) semaphore(%arg18 : memref<!tpu.dma_semaphore, #tpu.memory_space<semaphore_mem>>)
    %dma_start3A_93 = arith.constant 2 : i32
    %dma_start3A_94 = arith.constant 256 : i32
    %dma_start3A_95 = arith.constant 0 : i32
    %dma_start3A_96 = tpu.memref_slice %arg15[%dma_start3A_94, %dma_start3A_95] : memref<512x16xf32, #tpu.memory_space<vmem>> -> memref<128x16xf32, #tpu.memory_space<vmem>>
    %dma_start3A_97 = arith.constant 0 : i32
    %dma_start3A_98 = tpu.memref_slice %arg12[%dma_start3A_93, %dma_start3A_97] : memref<4x128xi32, #tpu.memory_space<vmem>> -> memref<1x128xi32, #tpu.memory_space<vmem>>
    %dma_start3A_99 = tpu.memref_squeeze %dma_start3A_98 : memref<1x128xi32, #tpu.memory_space<vmem>> -> memref<128xi32, #tpu.memory_space<vmem>>
    %dma_start3A_100 = arith.constant 0 : i32
    %dma_start3A_101 = arith.constant 0 : i32
    %dma_start3A_102 = tpu.memref_slice %arg8[%dma_start3A_100, %dma_start3A_101] : memref<8x16xf32, #tpu.memory_space<hbm>> -> memref<8x16xf32, #tpu.memory_space<hbm>>
    tpu.enqueue_indirect_dma source(%dma_start3A_102 : memref<8x16xf32, #tpu.memory_space<hbm>>) target(%dma_start3A_96 : memref<128x16xf32, #tpu.memory_space<vmem>>) offsets(%dma_start3A_99 : memref<128xi32, #tpu.memory_space<vmem>>) semaphore(%arg19 : memref<!tpu.dma_semaphore, #tpu.memory_space<semaphore_mem>>)
    %dma_start3A_103 = arith.constant 3 : i32
    %dma_start3A_104 = arith.constant 384 : i32
    %dma_start3A_105 = arith.constant 0 : i32
    %dma_start3A_106 = tpu.memref_slice %arg13[%dma_start3A_104, %dma_start3A_105] : memref<512x16xf32, #tpu.memory_space<vmem>> -> memref<128x16xf32, #tpu.memory_space<vmem>>
    %dma_start3A_107 = arith.constant 0 : i32
    %dma_start3A_108 = tpu.memref_slice %arg10[%dma_start3A_103, %dma_start3A_107] : memref<4x128xi32, #tpu.memory_space<vmem>> -> memref<1x128xi32, #tpu.memory_space<vmem>>
    %dma_start3A_109 = tpu.memref_squeeze %dma_start3A_108 : memref<1x128xi32, #tpu.memory_space<vmem>> -> memref<128xi32, #tpu.memory_space<vmem>>
    %dma_start3A_110 = arith.constant 0 : i32
    %dma_start3A_111 = arith.constant 0 : i32
    %dma_start3A_112 = tpu.memref_slice %arg6[%dma_start3A_110, %dma_start3A_111] : memref<257x16xf32, #tpu.memory_space<hbm>> -> memref<257x16xf32, #tpu.memory_space<hbm>>
    tpu.enqueue_indirect_dma source(%dma_start3A_112 : memref<257x16xf32, #tpu.memory_space<hbm>>) target(%dma_start3A_106 : memref<128x16xf32, #tpu.memory_space<vmem>>) offsets(%dma_start3A_109 : memref<128xi32, #tpu.memory_space<vmem>>) semaphore(%arg17 : memref<!tpu.dma_semaphore, #tpu.memory_space<semaphore_mem>>)
    %dma_start3A_113 = arith.constant 3 : i32
    %dma_start3A_114 = arith.constant 384 : i32
    %dma_start3A_115 = arith.constant 0 : i32
    %dma_start3A_116 = tpu.memref_slice %arg14[%dma_start3A_114, %dma_start3A_115] : memref<512x16xf32, #tpu.memory_space<vmem>> -> memref<128x16xf32, #tpu.memory_space<vmem>>
    %dma_start3A_117 = arith.constant 0 : i32
    %dma_start3A_118 = tpu.memref_slice %arg11[%dma_start3A_113, %dma_start3A_117] : memref<4x128xi32, #tpu.memory_space<vmem>> -> memref<1x128xi32, #tpu.memory_space<vmem>>
    %dma_start3A_119 = tpu.memref_squeeze %dma_start3A_118 : memref<1x128xi32, #tpu.memory_space<vmem>> -> memref<128xi32, #tpu.memory_space<vmem>>
    %dma_start3A_120 = arith.constant 0 : i32
    %dma_start3A_121 = arith.constant 0 : i32
    %dma_start3A_122 = tpu.memref_slice %arg7[%dma_start3A_120, %dma_start3A_121] : memref<25x16xf32, #tpu.memory_space<hbm>> -> memref<25x16xf32, #tpu.memory_space<hbm>>
    tpu.enqueue_indirect_dma source(%dma_start3A_122 : memref<25x16xf32, #tpu.memory_space<hbm>>) target(%dma_start3A_116 : memref<128x16xf32, #tpu.memory_space<vmem>>) offsets(%dma_start3A_119 : memref<128xi32, #tpu.memory_space<vmem>>) semaphore(%arg18 : memref<!tpu.dma_semaphore, #tpu.memory_space<semaphore_mem>>)
    %dma_start3A_123 = arith.constant 3 : i32
    %dma_start3A_124 = arith.constant 384 : i32
    %dma_start3A_125 = arith.constant 0 : i32
    %dma_start3A_126 = tpu.memref_slice %arg15[%dma_start3A_124, %dma_start3A_125] : memref<512x16xf32, #tpu.memory_space<vmem>> -> memref<128x16xf32, #tpu.memory_space<vmem>>
    %dma_start3A_127 = arith.constant 0 : i32
    %dma_start3A_128 = tpu.memref_slice %arg12[%dma_start3A_123, %dma_start3A_127] : memref<4x128xi32, #tpu.memory_space<vmem>> -> memref<1x128xi32, #tpu.memory_space<vmem>>
    %dma_start3A_129 = tpu.memref_squeeze %dma_start3A_128 : memref<1x128xi32, #tpu.memory_space<vmem>> -> memref<128xi32, #tpu.memory_space<vmem>>
    %dma_start3A_130 = arith.constant 0 : i32
    %dma_start3A_131 = arith.constant 0 : i32
    %dma_start3A_132 = tpu.memref_slice %arg8[%dma_start3A_130, %dma_start3A_131] : memref<8x16xf32, #tpu.memory_space<hbm>> -> memref<8x16xf32, #tpu.memory_space<hbm>>
    tpu.enqueue_indirect_dma source(%dma_start3A_132 : memref<8x16xf32, #tpu.memory_space<hbm>>) target(%dma_start3A_126 : memref<128x16xf32, #tpu.memory_space<vmem>>) offsets(%dma_start3A_129 : memref<128xi32, #tpu.memory_space<vmem>>) semaphore(%arg19 : memref<!tpu.dma_semaphore, #tpu.memory_space<semaphore_mem>>)
    %dma_start3A_133 = arith.constant 0 : i32
    %dma_start3A_134 = tpu.memref_slice %arg5[%mul3A_2, %dma_start3A_133] : memref<16384x2xf32, #tpu.memory_space<hbm>> -> memref<512x2xf32, #tpu.memory_space<hbm>>
    %dma_start3A_135 = arith.constant 0 : i32
    %dma_start3A_136 = tpu.memref_slice %arg5[%mul3A_2, %dma_start3A_135] : memref<16384x2xf32, #tpu.memory_space<hbm>> -> memref<512x2xf32, #tpu.memory_space<hbm>>
    tpu.enqueue_dma source(%dma_start3A_136 : memref<512x2xf32, #tpu.memory_space<hbm>>) target(%arg16 : memref<512x2xf32, #tpu.memory_space<vmem>>) target_semaphore(%arg20 : memref<!tpu.dma_semaphore, #tpu.memory_space<semaphore_mem>>)
    %dma_wait3A = arith.constant 0 : i32
    %dma_wait3A_137 = arith.constant 0 : i32
    %dma_wait3A_138 = arith.constant 0 : i32
    %dma_wait3A_139 = tpu.memref_slice %arg13[%dma_wait3A_137, %dma_wait3A_138] : memref<512x16xf32, #tpu.memory_space<vmem>> -> memref<128x16xf32, #tpu.memory_space<vmem>>
    %dma_wait3A_140 = arith.constant 0 : i32
    %dma_wait3A_141 = tpu.memref_slice %arg10[%dma_wait3A, %dma_wait3A_140] : memref<4x128xi32, #tpu.memory_space<vmem>> -> memref<1x128xi32, #tpu.memory_space<vmem>>
    %dma_wait3A_142 = tpu.memref_squeeze %dma_wait3A_141 : memref<1x128xi32, #tpu.memory_space<vmem>> -> memref<128xi32, #tpu.memory_space<vmem>>
    %dma_wait3A_143 = arith.constant 0 : i32
    %dma_wait3A_144 = arith.constant 0 : i32
    %dma_wait3A_145 = tpu.memref_slice %arg6[%dma_wait3A_143, %dma_wait3A_144] : memref<257x16xf32, #tpu.memory_space<hbm>> -> memref<257x16xf32, #tpu.memory_space<hbm>>
    tpu.wait_indirect_dma semaphore(%arg17 : memref<!tpu.dma_semaphore, #tpu.memory_space<semaphore_mem>>) src(%dma_wait3A_145 : memref<257x16xf32, #tpu.memory_space<hbm>>) dst(%dma_wait3A_139 : memref<128x16xf32, #tpu.memory_space<vmem>>)
    %dma_wait3A_146 = arith.constant 0 : i32
    %dma_wait3A_147 = arith.constant 0 : i32
    %dma_wait3A_148 = arith.constant 0 : i32
    %dma_wait3A_149 = tpu.memref_slice %arg14[%dma_wait3A_147, %dma_wait3A_148] : memref<512x16xf32, #tpu.memory_space<vmem>> -> memref<128x16xf32, #tpu.memory_space<vmem>>
    %dma_wait3A_150 = arith.constant 0 : i32
    %dma_wait3A_151 = tpu.memref_slice %arg11[%dma_wait3A_146, %dma_wait3A_150] : memref<4x128xi32, #tpu.memory_space<vmem>> -> memref<1x128xi32, #tpu.memory_space<vmem>>
    %dma_wait3A_152 = tpu.memref_squeeze %dma_wait3A_151 : memref<1x128xi32, #tpu.memory_space<vmem>> -> memref<128xi32, #tpu.memory_space<vmem>>
    %dma_wait3A_153 = arith.constant 0 : i32
    %dma_wait3A_154 = arith.constant 0 : i32
    %dma_wait3A_155 = tpu.memref_slice %arg7[%dma_wait3A_153, %dma_wait3A_154] : memref<25x16xf32, #tpu.memory_space<hbm>> -> memref<25x16xf32, #tpu.memory_space<hbm>>
    tpu.wait_indirect_dma semaphore(%arg18 : memref<!tpu.dma_semaphore, #tpu.memory_space<semaphore_mem>>) src(%dma_wait3A_155 : memref<25x16xf32, #tpu.memory_space<hbm>>) dst(%dma_wait3A_149 : memref<128x16xf32, #tpu.memory_space<vmem>>)
    %dma_wait3A_156 = arith.constant 0 : i32
    %dma_wait3A_157 = arith.constant 0 : i32
    %dma_wait3A_158 = arith.constant 0 : i32
    %dma_wait3A_159 = tpu.memref_slice %arg15[%dma_wait3A_157, %dma_wait3A_158] : memref<512x16xf32, #tpu.memory_space<vmem>> -> memref<128x16xf32, #tpu.memory_space<vmem>>
    %dma_wait3A_160 = arith.constant 0 : i32
    %dma_wait3A_161 = tpu.memref_slice %arg12[%dma_wait3A_156, %dma_wait3A_160] : memref<4x128xi32, #tpu.memory_space<vmem>> -> memref<1x128xi32, #tpu.memory_space<vmem>>
    %dma_wait3A_162 = tpu.memref_squeeze %dma_wait3A_161 : memref<1x128xi32, #tpu.memory_space<vmem>> -> memref<128xi32, #tpu.memory_space<vmem>>
    %dma_wait3A_163 = arith.constant 0 : i32
    %dma_wait3A_164 = arith.constant 0 : i32
    %dma_wait3A_165 = tpu.memref_slice %arg8[%dma_wait3A_163, %dma_wait3A_164] : memref<8x16xf32, #tpu.memory_space<hbm>> -> memref<8x16xf32, #tpu.memory_space<hbm>>
    tpu.wait_indirect_dma semaphore(%arg19 : memref<!tpu.dma_semaphore, #tpu.memory_space<semaphore_mem>>) src(%dma_wait3A_165 : memref<8x16xf32, #tpu.memory_space<hbm>>) dst(%dma_wait3A_159 : memref<128x16xf32, #tpu.memory_space<vmem>>)
    %dma_wait3A_166 = arith.constant 1 : i32
    %dma_wait3A_167 = arith.constant 128 : i32
    %dma_wait3A_168 = arith.constant 0 : i32
    %dma_wait3A_169 = tpu.memref_slice %arg13[%dma_wait3A_167, %dma_wait3A_168] : memref<512x16xf32, #tpu.memory_space<vmem>> -> memref<128x16xf32, #tpu.memory_space<vmem>>
    %dma_wait3A_170 = arith.constant 0 : i32
    %dma_wait3A_171 = tpu.memref_slice %arg10[%dma_wait3A_166, %dma_wait3A_170] : memref<4x128xi32, #tpu.memory_space<vmem>> -> memref<1x128xi32, #tpu.memory_space<vmem>>
    %dma_wait3A_172 = tpu.memref_squeeze %dma_wait3A_171 : memref<1x128xi32, #tpu.memory_space<vmem>> -> memref<128xi32, #tpu.memory_space<vmem>>
    %dma_wait3A_173 = arith.constant 0 : i32
    %dma_wait3A_174 = arith.constant 0 : i32
    %dma_wait3A_175 = tpu.memref_slice %arg6[%dma_wait3A_173, %dma_wait3A_174] : memref<257x16xf32, #tpu.memory_space<hbm>> -> memref<257x16xf32, #tpu.memory_space<hbm>>
    tpu.wait_indirect_dma semaphore(%arg17 : memref<!tpu.dma_semaphore, #tpu.memory_space<semaphore_mem>>) src(%dma_wait3A_175 : memref<257x16xf32, #tpu.memory_space<hbm>>) dst(%dma_wait3A_169 : memref<128x16xf32, #tpu.memory_space<vmem>>)
    %dma_wait3A_176 = arith.constant 1 : i32
    %dma_wait3A_177 = arith.constant 128 : i32
    %dma_wait3A_178 = arith.constant 0 : i32
    %dma_wait3A_179 = tpu.memref_slice %arg14[%dma_wait3A_177, %dma_wait3A_178] : memref<512x16xf32, #tpu.memory_space<vmem>> -> memref<128x16xf32, #tpu.memory_space<vmem>>
    %dma_wait3A_180 = arith.constant 0 : i32
    %dma_wait3A_181 = tpu.memref_slice %arg11[%dma_wait3A_176, %dma_wait3A_180] : memref<4x128xi32, #tpu.memory_space<vmem>> -> memref<1x128xi32, #tpu.memory_space<vmem>>
    %dma_wait3A_182 = tpu.memref_squeeze %dma_wait3A_181 : memref<1x128xi32, #tpu.memory_space<vmem>> -> memref<128xi32, #tpu.memory_space<vmem>>
    %dma_wait3A_183 = arith.constant 0 : i32
    %dma_wait3A_184 = arith.constant 0 : i32
    %dma_wait3A_185 = tpu.memref_slice %arg7[%dma_wait3A_183, %dma_wait3A_184] : memref<25x16xf32, #tpu.memory_space<hbm>> -> memref<25x16xf32, #tpu.memory_space<hbm>>
    tpu.wait_indirect_dma semaphore(%arg18 : memref<!tpu.dma_semaphore, #tpu.memory_space<semaphore_mem>>) src(%dma_wait3A_185 : memref<25x16xf32, #tpu.memory_space<hbm>>) dst(%dma_wait3A_179 : memref<128x16xf32, #tpu.memory_space<vmem>>)
    %dma_wait3A_186 = arith.constant 1 : i32
    %dma_wait3A_187 = arith.constant 128 : i32
    %dma_wait3A_188 = arith.constant 0 : i32
    %dma_wait3A_189 = tpu.memref_slice %arg15[%dma_wait3A_187, %dma_wait3A_188] : memref<512x16xf32, #tpu.memory_space<vmem>> -> memref<128x16xf32, #tpu.memory_space<vmem>>
    %dma_wait3A_190 = arith.constant 0 : i32
    %dma_wait3A_191 = tpu.memref_slice %arg12[%dma_wait3A_186, %dma_wait3A_190] : memref<4x128xi32, #tpu.memory_space<vmem>> -> memref<1x128xi32, #tpu.memory_space<vmem>>
    %dma_wait3A_192 = tpu.memref_squeeze %dma_wait3A_191 : memref<1x128xi32, #tpu.memory_space<vmem>> -> memref<128xi32, #tpu.memory_space<vmem>>
    %dma_wait3A_193 = arith.constant 0 : i32
    %dma_wait3A_194 = arith.constant 0 : i32
    %dma_wait3A_195 = tpu.memref_slice %arg8[%dma_wait3A_193, %dma_wait3A_194] : memref<8x16xf32, #tpu.memory_space<hbm>> -> memref<8x16xf32, #tpu.memory_space<hbm>>
    tpu.wait_indirect_dma semaphore(%arg19 : memref<!tpu.dma_semaphore, #tpu.memory_space<semaphore_mem>>) src(%dma_wait3A_195 : memref<8x16xf32, #tpu.memory_space<hbm>>) dst(%dma_wait3A_189 : memref<128x16xf32, #tpu.memory_space<vmem>>)
    %dma_wait3A_196 = arith.constant 2 : i32
    %dma_wait3A_197 = arith.constant 256 : i32
    %dma_wait3A_198 = arith.constant 0 : i32
    %dma_wait3A_199 = tpu.memref_slice %arg13[%dma_wait3A_197, %dma_wait3A_198] : memref<512x16xf32, #tpu.memory_space<vmem>> -> memref<128x16xf32, #tpu.memory_space<vmem>>
    %dma_wait3A_200 = arith.constant 0 : i32
    %dma_wait3A_201 = tpu.memref_slice %arg10[%dma_wait3A_196, %dma_wait3A_200] : memref<4x128xi32, #tpu.memory_space<vmem>> -> memref<1x128xi32, #tpu.memory_space<vmem>>
    %dma_wait3A_202 = tpu.memref_squeeze %dma_wait3A_201 : memref<1x128xi32, #tpu.memory_space<vmem>> -> memref<128xi32, #tpu.memory_space<vmem>>
    %dma_wait3A_203 = arith.constant 0 : i32
    %dma_wait3A_204 = arith.constant 0 : i32
    %dma_wait3A_205 = tpu.memref_slice %arg6[%dma_wait3A_203, %dma_wait3A_204] : memref<257x16xf32, #tpu.memory_space<hbm>> -> memref<257x16xf32, #tpu.memory_space<hbm>>
    tpu.wait_indirect_dma semaphore(%arg17 : memref<!tpu.dma_semaphore, #tpu.memory_space<semaphore_mem>>) src(%dma_wait3A_205 : memref<257x16xf32, #tpu.memory_space<hbm>>) dst(%dma_wait3A_199 : memref<128x16xf32, #tpu.memory_space<vmem>>)
    %dma_wait3A_206 = arith.constant 2 : i32
    %dma_wait3A_207 = arith.constant 256 : i32
    %dma_wait3A_208 = arith.constant 0 : i32
    %dma_wait3A_209 = tpu.memref_slice %arg14[%dma_wait3A_207, %dma_wait3A_208] : memref<512x16xf32, #tpu.memory_space<vmem>> -> memref<128x16xf32, #tpu.memory_space<vmem>>
    %dma_wait3A_210 = arith.constant 0 : i32
    %dma_wait3A_211 = tpu.memref_slice %arg11[%dma_wait3A_206, %dma_wait3A_210] : memref<4x128xi32, #tpu.memory_space<vmem>> -> memref<1x128xi32, #tpu.memory_space<vmem>>
    %dma_wait3A_212 = tpu.memref_squeeze %dma_wait3A_211 : memref<1x128xi32, #tpu.memory_space<vmem>> -> memref<128xi32, #tpu.memory_space<vmem>>
    %dma_wait3A_213 = arith.constant 0 : i32
    %dma_wait3A_214 = arith.constant 0 : i32
    %dma_wait3A_215 = tpu.memref_slice %arg7[%dma_wait3A_213, %dma_wait3A_214] : memref<25x16xf32, #tpu.memory_space<hbm>> -> memref<25x16xf32, #tpu.memory_space<hbm>>
    tpu.wait_indirect_dma semaphore(%arg18 : memref<!tpu.dma_semaphore, #tpu.memory_space<semaphore_mem>>) src(%dma_wait3A_215 : memref<25x16xf32, #tpu.memory_space<hbm>>) dst(%dma_wait3A_209 : memref<128x16xf32, #tpu.memory_space<vmem>>)
    %dma_wait3A_216 = arith.constant 2 : i32
    %dma_wait3A_217 = arith.constant 256 : i32
    %dma_wait3A_218 = arith.constant 0 : i32
    %dma_wait3A_219 = tpu.memref_slice %arg15[%dma_wait3A_217, %dma_wait3A_218] : memref<512x16xf32, #tpu.memory_space<vmem>> -> memref<128x16xf32, #tpu.memory_space<vmem>>
    %dma_wait3A_220 = arith.constant 0 : i32
    %dma_wait3A_221 = tpu.memref_slice %arg12[%dma_wait3A_216, %dma_wait3A_220] : memref<4x128xi32, #tpu.memory_space<vmem>> -> memref<1x128xi32, #tpu.memory_space<vmem>>
    %dma_wait3A_222 = tpu.memref_squeeze %dma_wait3A_221 : memref<1x128xi32, #tpu.memory_space<vmem>> -> memref<128xi32, #tpu.memory_space<vmem>>
    %dma_wait3A_223 = arith.constant 0 : i32
    %dma_wait3A_224 = arith.constant 0 : i32
    %dma_wait3A_225 = tpu.memref_slice %arg8[%dma_wait3A_223, %dma_wait3A_224] : memref<8x16xf32, #tpu.memory_space<hbm>> -> memref<8x16xf32, #tpu.memory_space<hbm>>
    tpu.wait_indirect_dma semaphore(%arg19 : memref<!tpu.dma_semaphore, #tpu.memory_space<semaphore_mem>>) src(%dma_wait3A_225 : memref<8x16xf32, #tpu.memory_space<hbm>>) dst(%dma_wait3A_219 : memref<128x16xf32, #tpu.memory_space<vmem>>)
    %dma_wait3A_226 = arith.constant 3 : i32
    %dma_wait3A_227 = arith.constant 384 : i32
    %dma_wait3A_228 = arith.constant 0 : i32
    %dma_wait3A_229 = tpu.memref_slice %arg13[%dma_wait3A_227, %dma_wait3A_228] : memref<512x16xf32, #tpu.memory_space<vmem>> -> memref<128x16xf32, #tpu.memory_space<vmem>>
    %dma_wait3A_230 = arith.constant 0 : i32
    %dma_wait3A_231 = tpu.memref_slice %arg10[%dma_wait3A_226, %dma_wait3A_230] : memref<4x128xi32, #tpu.memory_space<vmem>> -> memref<1x128xi32, #tpu.memory_space<vmem>>
    %dma_wait3A_232 = tpu.memref_squeeze %dma_wait3A_231 : memref<1x128xi32, #tpu.memory_space<vmem>> -> memref<128xi32, #tpu.memory_space<vmem>>
    %dma_wait3A_233 = arith.constant 0 : i32
    %dma_wait3A_234 = arith.constant 0 : i32
    %dma_wait3A_235 = tpu.memref_slice %arg6[%dma_wait3A_233, %dma_wait3A_234] : memref<257x16xf32, #tpu.memory_space<hbm>> -> memref<257x16xf32, #tpu.memory_space<hbm>>
    tpu.wait_indirect_dma semaphore(%arg17 : memref<!tpu.dma_semaphore, #tpu.memory_space<semaphore_mem>>) src(%dma_wait3A_235 : memref<257x16xf32, #tpu.memory_space<hbm>>) dst(%dma_wait3A_229 : memref<128x16xf32, #tpu.memory_space<vmem>>)
    %dma_wait3A_236 = arith.constant 3 : i32
    %dma_wait3A_237 = arith.constant 384 : i32
    %dma_wait3A_238 = arith.constant 0 : i32
    %dma_wait3A_239 = tpu.memref_slice %arg14[%dma_wait3A_237, %dma_wait3A_238] : memref<512x16xf32, #tpu.memory_space<vmem>> -> memref<128x16xf32, #tpu.memory_space<vmem>>
    %dma_wait3A_240 = arith.constant 0 : i32
    %dma_wait3A_241 = tpu.memref_slice %arg11[%dma_wait3A_236, %dma_wait3A_240] : memref<4x128xi32, #tpu.memory_space<vmem>> -> memref<1x128xi32, #tpu.memory_space<vmem>>
    %dma_wait3A_242 = tpu.memref_squeeze %dma_wait3A_241 : memref<1x128xi32, #tpu.memory_space<vmem>> -> memref<128xi32, #tpu.memory_space<vmem>>
    %dma_wait3A_243 = arith.constant 0 : i32
    %dma_wait3A_244 = arith.constant 0 : i32
    %dma_wait3A_245 = tpu.memref_slice %arg7[%dma_wait3A_243, %dma_wait3A_244] : memref<25x16xf32, #tpu.memory_space<hbm>> -> memref<25x16xf32, #tpu.memory_space<hbm>>
    tpu.wait_indirect_dma semaphore(%arg18 : memref<!tpu.dma_semaphore, #tpu.memory_space<semaphore_mem>>) src(%dma_wait3A_245 : memref<25x16xf32, #tpu.memory_space<hbm>>) dst(%dma_wait3A_239 : memref<128x16xf32, #tpu.memory_space<vmem>>)
    %dma_wait3A_246 = arith.constant 3 : i32
    %dma_wait3A_247 = arith.constant 384 : i32
    %dma_wait3A_248 = arith.constant 0 : i32
    %dma_wait3A_249 = tpu.memref_slice %arg15[%dma_wait3A_247, %dma_wait3A_248] : memref<512x16xf32, #tpu.memory_space<vmem>> -> memref<128x16xf32, #tpu.memory_space<vmem>>
    %dma_wait3A_250 = arith.constant 0 : i32
    %dma_wait3A_251 = tpu.memref_slice %arg12[%dma_wait3A_246, %dma_wait3A_250] : memref<4x128xi32, #tpu.memory_space<vmem>> -> memref<1x128xi32, #tpu.memory_space<vmem>>
    %dma_wait3A_252 = tpu.memref_squeeze %dma_wait3A_251 : memref<1x128xi32, #tpu.memory_space<vmem>> -> memref<128xi32, #tpu.memory_space<vmem>>
    %dma_wait3A_253 = arith.constant 0 : i32
    %dma_wait3A_254 = arith.constant 0 : i32
    %dma_wait3A_255 = tpu.memref_slice %arg8[%dma_wait3A_253, %dma_wait3A_254] : memref<8x16xf32, #tpu.memory_space<hbm>> -> memref<8x16xf32, #tpu.memory_space<hbm>>
    tpu.wait_indirect_dma semaphore(%arg19 : memref<!tpu.dma_semaphore, #tpu.memory_space<semaphore_mem>>) src(%dma_wait3A_255 : memref<8x16xf32, #tpu.memory_space<hbm>>) dst(%dma_wait3A_249 : memref<128x16xf32, #tpu.memory_space<vmem>>)
    %dma_wait3A_256 = arith.constant 0 : i32
    %dma_wait3A_257 = tpu.memref_slice %arg5[%mul3A_2, %dma_wait3A_256] : memref<16384x2xf32, #tpu.memory_space<hbm>> -> memref<512x2xf32, #tpu.memory_space<hbm>>
    %dma_wait3A_258 = arith.constant 0 : i32
    %dma_wait3A_259 = tpu.memref_slice %arg5[%mul3A_2, %dma_wait3A_258] : memref<16384x2xf32, #tpu.memory_space<hbm>> -> memref<512x2xf32, #tpu.memory_space<hbm>>
    tpu.wait_dma2 semaphore(%arg20 : memref<!tpu.dma_semaphore, #tpu.memory_space<semaphore_mem>>) src(%dma_wait3A_259 : memref<512x2xf32, #tpu.memory_space<hbm>>) dst(%arg16 : memref<512x2xf32, #tpu.memory_space<vmem>>)
    %dma_start3A_260 = arith.constant 0 : i32
    %dma_start3A_261 = tpu.memref_slice %arg9[%mul3A_2, %dma_start3A_260] : memref<16384x50xf32, #tpu.memory_space<hbm>> -> memref<512x16xf32, #tpu.memory_space<hbm>>
    %dma_start3A_262 = arith.constant 0 : i32
    %dma_start3A_263 = tpu.memref_slice %arg9[%mul3A_2, %dma_start3A_262] : memref<16384x50xf32, #tpu.memory_space<hbm>> -> memref<512x16xf32, #tpu.memory_space<hbm>>
    tpu.enqueue_dma source(%arg13 : memref<512x16xf32, #tpu.memory_space<vmem>>) target(%dma_start3A_263 : memref<512x16xf32, #tpu.memory_space<hbm>>) target_semaphore(%arg17 : memref<!tpu.dma_semaphore, #tpu.memory_space<semaphore_mem>>)
    %dma_start3A_264 = arith.constant 16 : i32
    %dma_start3A_265 = tpu.memref_slice %arg9[%mul3A_2, %dma_start3A_264] : memref<16384x50xf32, #tpu.memory_space<hbm>> -> memref<512x16xf32, #tpu.memory_space<hbm>>
    %dma_start3A_266 = arith.constant 16 : i32
    %dma_start3A_267 = tpu.memref_slice %arg9[%mul3A_2, %dma_start3A_266] : memref<16384x50xf32, #tpu.memory_space<hbm>> -> memref<512x16xf32, #tpu.memory_space<hbm>>
    tpu.enqueue_dma source(%arg14 : memref<512x16xf32, #tpu.memory_space<vmem>>) target(%dma_start3A_267 : memref<512x16xf32, #tpu.memory_space<hbm>>) target_semaphore(%arg18 : memref<!tpu.dma_semaphore, #tpu.memory_space<semaphore_mem>>)
    %dma_start3A_268 = arith.constant 32 : i32
    %dma_start3A_269 = tpu.memref_slice %arg9[%mul3A_2, %dma_start3A_268] : memref<16384x50xf32, #tpu.memory_space<hbm>> -> memref<512x16xf32, #tpu.memory_space<hbm>>
    %dma_start3A_270 = arith.constant 32 : i32
    %dma_start3A_271 = tpu.memref_slice %arg9[%mul3A_2, %dma_start3A_270] : memref<16384x50xf32, #tpu.memory_space<hbm>> -> memref<512x16xf32, #tpu.memory_space<hbm>>
    tpu.enqueue_dma source(%arg15 : memref<512x16xf32, #tpu.memory_space<vmem>>) target(%dma_start3A_271 : memref<512x16xf32, #tpu.memory_space<hbm>>) target_semaphore(%arg19 : memref<!tpu.dma_semaphore, #tpu.memory_space<semaphore_mem>>)
    %dma_start3A_272 = arith.constant 48 : i32
    %dma_start3A_273 = tpu.memref_slice %arg9[%mul3A_2, %dma_start3A_272] : memref<16384x50xf32, #tpu.memory_space<hbm>> -> memref<512x2xf32, #tpu.memory_space<hbm>>
    %dma_start3A_274 = arith.constant 48 : i32
    %dma_start3A_275 = tpu.memref_slice %arg9[%mul3A_2, %dma_start3A_274] : memref<16384x50xf32, #tpu.memory_space<hbm>> -> memref<512x2xf32, #tpu.memory_space<hbm>>
    tpu.enqueue_dma source(%arg16 : memref<512x2xf32, #tpu.memory_space<vmem>>) target(%dma_start3A_275 : memref<512x2xf32, #tpu.memory_space<hbm>>) target_semaphore(%arg20 : memref<!tpu.dma_semaphore, #tpu.memory_space<semaphore_mem>>)
    %dma_wait3A_276 = arith.constant 0 : i32
    %dma_wait3A_277 = tpu.memref_slice %arg9[%mul3A_2, %dma_wait3A_276] : memref<16384x50xf32, #tpu.memory_space<hbm>> -> memref<512x16xf32, #tpu.memory_space<hbm>>
    %dma_wait3A_278 = arith.constant 0 : i32
    %dma_wait3A_279 = tpu.memref_slice %arg9[%mul3A_2, %dma_wait3A_278] : memref<16384x50xf32, #tpu.memory_space<hbm>> -> memref<512x16xf32, #tpu.memory_space<hbm>>
    tpu.wait_dma2 semaphore(%arg17 : memref<!tpu.dma_semaphore, #tpu.memory_space<semaphore_mem>>) src(%arg13 : memref<512x16xf32, #tpu.memory_space<vmem>>) dst(%dma_wait3A_279 : memref<512x16xf32, #tpu.memory_space<hbm>>)
    %dma_wait3A_280 = arith.constant 16 : i32
    %dma_wait3A_281 = tpu.memref_slice %arg9[%mul3A_2, %dma_wait3A_280] : memref<16384x50xf32, #tpu.memory_space<hbm>> -> memref<512x16xf32, #tpu.memory_space<hbm>>
    %dma_wait3A_282 = arith.constant 16 : i32
    %dma_wait3A_283 = tpu.memref_slice %arg9[%mul3A_2, %dma_wait3A_282] : memref<16384x50xf32, #tpu.memory_space<hbm>> -> memref<512x16xf32, #tpu.memory_space<hbm>>
    tpu.wait_dma2 semaphore(%arg18 : memref<!tpu.dma_semaphore, #tpu.memory_space<semaphore_mem>>) src(%arg14 : memref<512x16xf32, #tpu.memory_space<vmem>>) dst(%dma_wait3A_283 : memref<512x16xf32, #tpu.memory_space<hbm>>)
    %dma_wait3A_284 = arith.constant 32 : i32
    %dma_wait3A_285 = tpu.memref_slice %arg9[%mul3A_2, %dma_wait3A_284] : memref<16384x50xf32, #tpu.memory_space<hbm>> -> memref<512x16xf32, #tpu.memory_space<hbm>>
    %dma_wait3A_286 = arith.constant 32 : i32
    %dma_wait3A_287 = tpu.memref_slice %arg9[%mul3A_2, %dma_wait3A_286] : memref<16384x50xf32, #tpu.memory_space<hbm>> -> memref<512x16xf32, #tpu.memory_space<hbm>>
    tpu.wait_dma2 semaphore(%arg19 : memref<!tpu.dma_semaphore, #tpu.memory_space<semaphore_mem>>) src(%arg15 : memref<512x16xf32, #tpu.memory_space<vmem>>) dst(%dma_wait3A_287 : memref<512x16xf32, #tpu.memory_space<hbm>>)
    %dma_wait3A_288 = arith.constant 48 : i32
    %dma_wait3A_289 = tpu.memref_slice %arg9[%mul3A_2, %dma_wait3A_288] : memref<16384x50xf32, #tpu.memory_space<hbm>> -> memref<512x2xf32, #tpu.memory_space<hbm>>
    %dma_wait3A_290 = arith.constant 48 : i32
    %dma_wait3A_291 = tpu.memref_slice %arg9[%mul3A_2, %dma_wait3A_290] : memref<16384x50xf32, #tpu.memory_space<hbm>> -> memref<512x2xf32, #tpu.memory_space<hbm>>
    tpu.wait_dma2 semaphore(%arg20 : memref<!tpu.dma_semaphore, #tpu.memory_space<semaphore_mem>>) src(%arg16 : memref<512x2xf32, #tpu.memory_space<vmem>>) dst(%dma_wait3A_291 : memref<512x2xf32, #tpu.memory_space<hbm>>)
    return
  }
}

</mosaic_0001>

<sc_bundles>
// kernel: kernel.3.cloned.1.call-start
scs
__scs_entry_jumppad:
0x0: {  	(pc) =	sbr.rel $0x88, $3  }
0x1: {  	(tag) =	ssettag $0x0;
	lr =	simm.s32 $0x1  }
0x2: {  	[smem:$0x3F99] =	sst lr;
	_ =	strace $0xD0000000  }
0x3: {  	_ = 	snop  }
0x4: {  	_ = 	snop  }
0x5: {  	_ = 	snop  }
0x6: {  	_ = 	snop  }
0x7: {  	_ = 	snop  }
__scs_overlays_trampoline_lowered:
0x8: {  	[smem:$0x3FA8] =	sst s0  }
0x9: {  	[smem:$0x3FA9] =	sst s1  }
0xa: {  	[smem:$0x3FAA] =	sst s2  }
0xb: {  	[smem:$0x3FAB] =	sst s3  }
0xc: {  	[smem:$0x3FAC] =	sst s4  }
0xd: {  	[smem:$0x3FAD] =	sst s5  }
0xe: {  	[smem:$0x3FAE] =	sst s6  }
0xf: {  	[smem:$0x3FAF] =	sst s7  }
0x10: {  	[smem:$0x3FB0] =	sst s8  }
0x11: {  	[smem:$0x3FB1] =	sst s9;
	s0 =	simm.s32 @!p0 $0x0  }
0x12: {  	s1 =	sld [smem:$0x3F97];
	s0 =	simm.s32 @p0 $0x1  }
0x13: {  	[smem:$0x3FB2] =	sst s0;
	s0 =	simm.s32 @!p1 $0x0  }
0x14: {  	s2 =	sld [smem:$0x3F96];
	s0 =	simm.s32 @p1 $0x1  }
0x15: {  	[smem:$0x3FB3] =	sst s0;
	s0 =	simm.s32 @!p2 $0x0  }
0x16: {  	s3 =	sld [smem:$0x3FDB];
	s0 =	simm.s32 @p2 $0x1  }
0x17: {  	s4 =	simm.s32 $0x1BF5;
	[smem:$0x3FB5] =	sst s0  }
0x18: {  	s0 =	sld [smem:$0x3F98];
	_ =	swait.ge [sflag:s4], $0x0  }
0x19: {  	s7 =	sld [smem:$0x3F99]  }
0x1a: {  	s8 =	sadd.s32 $0xFFFFE003, lr  }
0x1b: {  	s9 =	sadd.s32 $0xFFFFFEF7, lr;
	s5 =	simm.s32 $0xFFFFFFFF;
	p2 =	slt.u32 s8, $0xFFFFF086  }
0x1c: {  	p1 =	slt.u32 s9, $0xF7A;
	s5 =	simm.s32 @!p2 $0x0  }
0x1d: {  	s5 =	simm.s32 @p1 $0x1;
	p0 =	seq.s32 s7, s2  }
0x1e: {  	s7 =	smul.u32 @!p0 $0xF7A, s2;
	p2 =	seq.s32 @!p0 s5, $0x0  }
0x1f: {  	s9 =	smul.u32 $0xF7A, s1;
	s8 =	simm.s32 @!p0 $0x1BF5;
	p2 =	por !p2, p0  }
0x20: {  	[sflag:s8] =	ssyncset.s32 @!p0 $0xFFFFF086;
	s6 =	sadd.s32 @!p0 s3, s7;
	s7 =	simm.s32 @!p0 $0x108  }
0x21: {  	s3 =	sadd.s32 s3, s9;
	s6 =	sadd.s32 @!p0 $0x88, s6;
	s7 =	simm.s32 @p2 $0x1082  }
0x22: {  	[simem:s7], [sflag:s8] =	dma.local @!p0 [hbm:s6], $0xF7A  }
0x23: {  	s9 =	sor.u32 $0xD0000000, s2;
	s6 =	simm.s32 $0x108;
	_ =	swait.ge @!p0 [sflag:s8], $0x0  }
0x24: {  	s3 =	sadd.s32 $0x88, s3;
	s6 =	simm.s32 @!p1 $0x1082;
	[sflag:s4] =	ssyncset.s32 $0xFFFFF086  }
0x25: {  	[simem:s6], [sflag:s4] =	dma.local [hbm:s3], $0xF7A  }
0x26: {  	[smem:$0x3F99] =	sst s1;
	(tag) =	ssettag s2;
	_ =	strace s9  }
0x27: {  	s1 =	sld [smem:$0x3FA9]  }
0x28: {  	s2 =	sld [smem:$0x3FAA]  }
0x29: {  	s4 =	sld [smem:$0x3FAC]  }
0x2a: {  	p0 =	seq.s32 s5, $0x0;
	s5 =	sld [smem:$0x3FAD]  }
0x2b: {  	s6 =	sld [smem:$0x3FAE]  }
0x2c: {  	s7 =	sld [smem:$0x3FAF]  }
0x2d: {  	s3 =	simm.s32 $0x108;
	s8 =	sld [smem:$0x3FB0]  }
0x2e: {  	s3 =	simm.s32 @!p0 $0x1082;
	s9 =	sld [smem:$0x3FB1]  }
0x2f: {  	lr =	sadd.s32 s0, s3;
	s0 =	sld [smem:$0x3FA8]  }
0x30: {  	s3 =	sld [smem:$0x3FAB]  }
0x31: {  	[smem:$0x3FB4] =	sst s10  }
0x32: {  	s10 =	sld [smem:$0x3FB2];
	_ =	sdelay $0x3  }
0x33: {  	p0 =	seq.s32 s10, $0x1;
	s10 =	sld [smem:$0x3FB4];
	_ =	sdelay $0x3  }
0x34: {  	[smem:$0x3FB4] =	sst s10  }
0x35: {  	s10 =	sld [smem:$0x3FB3];
	_ =	sdelay $0x3  }
0x36: {  	p1 =	seq.s32 s10, $0x1;
	s10 =	sld [smem:$0x3FB4];
	_ =	sdelay $0x3  }
0x37: {  	[smem:$0x3FB4] =	sst s10  }
0x38: {  	s10 =	sld [smem:$0x3FB5]  }
0x39: {  	_ = 	snop;
	(pc) =	sbr.ind lr, $3  }
0x3a: {  	_ = 	snop  }
0x3b: {  	_ = 	snop  }
0x3c: {  	p2 =	seq.s32 s10, $0x1;
	s10 =	sld [smem:$0x3FB4]  }
0x3d: {  	_ =	shalt  }
0x3e: {  	_ =	shalt  }
0x3f: {  	_ =	shalt  }
0x40: {  	_ =	shalt  }
0x41: {  	_ =	shalt  }
0x42: {  	_ =	shalt  }
0x43: {  	_ =	shalt  }
0x44: {  	_ =	shalt  }
0x45: {  	_ =	shalt  }
0x46: {  	_ =	shalt  }
0x47: {  	_ =	shalt  }
0x48: {  	_ =	shalt  }
0x49: {  	_ =	shalt  }
0x4a: {  	_ =	shalt  }
0x4b: {  	_ =	shalt  }
0x4c: {  	_ =	shalt  }
0x4d: {  	_ =	shalt  }
0x4e: {  	_ =	shalt  }
0x4f: {  	_ =	shalt  }
0x50: {  	_ =	shalt  }
0x51: {  	_ =	shalt  }
0x52: {  	_ =	shalt  }
0x53: {  	_ =	shalt  }
0x54: {  	_ =	shalt  }
0x55: {  	_ =	shalt  }
0x56: {  	_ =	shalt  }
0x57: {  	_ =	shalt  }
0x58: {  	_ =	shalt  }
0x59: {  	_ =	shalt  }
0x5a: {  	_ =	shalt  }
0x5b: {  	_ =	shalt  }
0x5c: {  	_ =	shalt  }
0x5d: {  	_ =	shalt  }
0x5e: {  	_ =	shalt  }
0x5f: {  	_ =	shalt  }
0x60: {  	_ =	shalt  }
0x61: {  	_ =	shalt  }
0x62: {  	_ =	shalt  }
0x63: {  	_ =	shalt  }
0x64: {  	_ =	shalt  }
0x65: {  	_ =	shalt  }
0x66: {  	_ =	shalt  }
0x67: {  	_ =	shalt  }
0x68: {  	_ =	shalt  }
0x69: {  	_ =	shalt  }
0x6a: {  	_ =	shalt  }
0x6b: {  	_ =	shalt  }
0x6c: {  	_ =	shalt  }
0x6d: {  	_ =	shalt  }
0x6e: {  	_ =	shalt  }
0x6f: {  	_ =	shalt  }
0x70: {  	_ =	shalt  }
0x71: {  	_ =	shalt  }
0x72: {  	_ =	shalt  }
0x73: {  	_ =	shalt  }
0x74: {  	_ =	shalt  }
0x75: {  	_ =	shalt  }
0x76: {  	_ =	shalt  }
0x77: {  	_ =	shalt  }
0x78: {  	_ =	shalt  }
0x79: {  	_ =	shalt  }
0x7a: {  	_ =	shalt  }
0x7b: {  	_ =	shalt  }
0x7c: {  	_ =	shalt  }
0x7d: {  	_ =	shalt  }
0x7e: {  	_ =	shalt  }
0x7f: {  	_ =	shalt  }
0x80: {  	_ =	shalt  }
0x81: {  	_ =	shalt  }
0x82: {  	_ =	shalt  }
0x83: {  	_ =	shalt  }
0x84: {  	_ =	shalt  }
0x85: {  	_ =	shalt  }
0x86: {  	_ =	shalt  }
0x87: {  	_ =	shalt  }
.Lfunc_end0:
.L_simem_size_0:
called_computation_lowered:
.L_overlay_start_0:
0x88: {  	s2 =	sld [smem:$0x3FD9]  }
0x89: {  	s3 =	sld [smem:$0x3FFE];
	_ =	sdelay $0x1  }
0x8a: {  	s1 =	srdreg.scid  }
0x8b: {  	s0 =	sand.u32 $0x1, s1  }
0x8c: {  	s17 =	sshll.u32 s0, $0xA;
	s2 =	sadd.s32 s3, s2  }
0x8d: {  	s2 =	sadd.s32 s2, s17  }
0x8e: {  	[smem:$0x3FC0] =	sst s2  }
0x8f: {  	_ = 	snop  }
0x90: {  	s2 =	sld [smem:$0x3FC9]  }
0x91: {  	s18 =	sld [smem:$0x3FC8]  }
0x92: {  	s4 =	sld [smem:$0x3FC7]  }
0x93: {  	s5 =	sld [smem:$0x3FD0];
	(tm) =	ssettm $0x1  }
0x94: {  	s6 =	sld [smem:$0x3FFB];
	_ =	sdelay $0x3  }
0x95: {  	_ =	strace s6  }
0x96: {  	s6 =	sld [smem:$0x3FFC];
	_ =	sdelay $0x3  }
0x97: {  	_ =	strace s6  }
0x98: {  	s6 =	sld [smem:$0x3FFD];
	_ =	sdelay $0x3  }
0x99: {  	_ =	strace s6  }
0x9a: {  	_ =	strace $0x8FFFFFFF  }
0x9b: {  	s19 =	sld [smem:$0x3FDB];
	_ =	sdelay $0x1  }
0x9c: {  	s7 =	simm.s32 $_scs_section_size  }
0x9d: {  	s8 =	simm.s32 $_size__tile_overlayer_lowered;
	s9 =	simm.s32 $_tile_overlayer_lowered  }
0x9e: {  	s22 =	simm.s32 $0x1BFF;
	s21 =	sshll.u32 s9, $0x1;
	s6 =	sadd.s32 s7, s19  }
0x9f: {  	s10 =	simm.s32 $0x0;
	s20 =	sshll.u32 s8, $0x1;
	s8 =	sadd.s32 s21, s6  }
0xa0: {  	[timem:s10], [sflag:s22] =	dma.local [hbm:s8], s20  }
0xa1: {  	_ =	swait.ge [sflag:s22], s20  }
0xa2: {  	s7 =	ssub.s32 $0x0, s20;
	[sflag:s22] =	ssyncset.done $0x0  }
0xa3: {  	[sflag:s22] =	ssyncadd.s32 s7;
	_ =	sdelay $0x1  }
0xa4: {  	s23 =	simm.s32 $0x1B8B  }
0xa5: {  	_ =	swait.ge [sflag:s23], $0x1  }
0xa6: {  	[sflag:s23] =	ssyncset.done $0x0  }
0xa7: {  	s25 =	simm.s32 $0x1B8E;
	s24 =	sld [smem:$0x3FFE];
	[sflag:s23] =	ssyncadd.s32 $0xFFFFFFFF  }
0xa8: {  	s26 =	simm.s32 $execute0_lowered;
	[smem:$0x3FD2] =	sst s25  }
0xa9: {  	s8 =	sshll.u32 s26, $0x1;
	_ =	strace $0x80000046;
	[dreg:$0x1] =	wrdreg $0xFFFFFFFF  }
0xaa: {  	s28 =	simm.s32 $_size_execute0_lowered;
	s6 =	sadd.s32 s6, s8;
	[dreg:$0x0] =	wrdreg $0x0  }
0xab: {  	s8 =	sshll.u32 s28, $0x1;
	[dreg:$0x2] =	wrdreg s6  }
0xac: {  	[dreg:$0x3] =	wrdreg s8  }
0xad: {  	[dreg:$0x4] =	wrdreg $0xC0  }
0xae: {  	_ =	task [dreg:s10], $0x5FFFF  }
0xaf: {  	[dreg:$0x1] =	wrdreg $0xFFFFFFFF  }
0xb0: {  	[dreg:$0x0] =	wrdreg $0x60  }
0xb1: {  	[dreg:$0x2] =	wrdreg s2  }
0xb2: {  	[dreg:$0x3] =	wrdreg s18  }
0xb3: {  	[dreg:$0x4] =	wrdreg s4  }
0xb4: {  	[dreg:$0x5] =	wrdreg s24  }
0xb5: {  	[dreg:$0x6] =	wrdreg s5  }
0xb6: {  	[dreg:$0x7] =	wrdreg $0x9  }
0xb7: {  	_ =	task.clear_ibuf [dreg:s10], $0x8FFFF;
	_ =	strace $0x90000046  }
0xb8: {  	s29 =	simm.s32 $0x9;
	_ =	strace $0x80000048  }
0xb9: {  	_ =	swait.ge [sflag:s29], $0x1  }
0xba: {  	[sflag:s29] =	ssyncadd.s32 $0xFFFFFFFF  }
0xbb: {  	_ =	strace $0x90000048  }
0xbc: {  	_ =	sfence  }
0xbd: {  	s30 =	sld [smem:$0x0];
	_ =	sdelay $0x2  }
0xbe: {  	s31 =	sshll.u32 s1, $0xD;
	s1 =	sshrl.u32 s1, $0x2  }
0xbf: {  	s3 =	sand.u32 $0x4000, s31;
	s1 =	sadd.s32 s1, s30  }
0xc0: {  	s0 =	sor.u32 s3, s0;
	s1 =	sshll.u32 s1, $0x11  }
0xc1: {  	s0 =	sor.u32 s1, s0  }
0xc2: {  	s0 =	sadd.s32 $0x8F2B, s0  }
0xc3: {  	[sflag:s0] =	ssyncadd.remote.s32 $0x1  }
0xc4: {  	_ =	sfence.sel $0xFFFF  }
0xc5: {  	[dreg:$0x0] =	wrdreg $0xFFFFFFFF;
	(pc) =	sbr.abs _section_cstart, $3  }
0xc6: {  	[dreg:$0x1] =	wrdreg $0xFFFFFFFF  }
0xc7: {  	_ =	task.clear_ibuf [dreg:s10], $0x2FFFF;
	_ =	strace $0x9FFFFFFF  }
0xc8: {  	(tm) =	ssettm $0x7FFFFFFF  }
0xc9: {  	_ =	shalt  }
tec
execute0_lowered:
.L_overlay_start_1:
0x0: {  	(tag) =	ssettag $0x1  }
0x1: {  	s0 =	rddreg [dreg:$0x0]  }
0x2: {  	s1 =	rddreg [dreg:$0x1]  }
0x3: {  	s9 =	rddreg [dreg:$0x2]  }
0x4: {  	s5 =	rddreg [dreg:$0x3]  }
0x5: {  	s8 =	rddreg [dreg:$0x4]  }
0x6: {  	s3 =	srdreg.scid;
	s6 =	stileid.u32;
	s2 =	simm.s32 $0x0  }
0x7: {  	s15 =	simm.s32 $0x5;
	s16 =	simm.s32 $0x200;
	s17 =	simm.s32 $0x400  }
0x8: {  	s18 =	simm.s32 $0x80;
	s19 =	simm.s32 $0x600;
	s20 =	simm.s32 $0x2600  }
0x9: {  	s21 =	simm.s32 $0x4600;
	s29 =	simm.s32 $0x6600;
	s30 =	simm.s32 $0x1  }
0xa: {  	s31 =	simm.s32 $0x2;
	s22 =	simm.s32 $0x10;
	s23 =	simm.s32 $0x38  }
0xb: {  	s4 =	sand.u32 $0x1, s3;
	s26 =	sshll.u32 s6, $0x1;
	[smem:$0x7FF] =	sst s2  }
0xc: {  	s25 =	simm.s32 $0x0;
	s6 =	sor.u32 s4, s26;
	_ =	strace $0x80000047  }
0xd: {  	s7 =	ssub.s32 $0x2, s4;
	s4 =	sadd.s32 $0x4E00, s5;
	s3 =	sshll.u32 s6, $0x9  }
0xe: {  	s11 =	sshrl.u32 s7, $0x1;
	s12 =	smul.u32 $0xE00, s6;
	s28 =	sshll.u32 s6, $0x6  }
0xf: {  	s10 =	sadd.s32 s3, s5;
	s3 =	sadd.s32 $0x4A00, s5;
	s5 =	sadd.s32 $0x5000, s5  }
0x10: {  	s14 =	ssub.s32 s7, s11;
	s6 =	sadd.s32 s0, s28;
	s7 =	sadd.s32 s1, s28  }
0x11: {  	s9 =	sadd.s32 s9, s28;
	s0 =	simm.s32 $0x3;
	s1 =	simm.s32 $0x4  }
0x12: {  	s8 =	sadd.s32 s8, s12;
	s10 =	sadd.s32 $0xA00, s10;
	s14 =	smax.u32 s14, $0x1  }
0x13: {  	s11 =	sadd.s32 $0x2, s8;
	s12 =	sadd.s32 $0x4, s8;
	s13 =	sadd.s32 $0x6, s8  }
.LBB2_1:
0x14: {  	[tilespmem:s2], [sflag:$0x5] =	stream.linear.gather [hbm4b:s6+s2], $0x200, $0x38;
	[tilespmem:$0x7600] =	vst v63  }
0x15: {  	_ =	swait.ge [sflag:s15], $0x200  }
0x16: {  	[sflag:s15] =	ssyncset.done $0x0  }
0x17: {  	[sflag:s15] =	ssyncadd.s32 $0xFFFFFE00  }
0x18: {  	[tilespmem:s16], [sflag:$0x5] =	stream.linear.gather [hbm4b:s7+s2], $0x200, $0x38;
	[tilespmem:$0x7600] =	vst v63  }
0x19: {  	_ =	swait.ge [sflag:s15], $0x200  }
0x1a: {  	[sflag:s15] =	ssyncset.done $0x0  }
0x1b: {  	[sflag:s15] =	ssyncadd.s32 $0xFFFFFE00  }
0x1c: {  	[tilespmem:s17], [sflag:$0x5] =	stream.linear.gather [hbm4b:s9+s2], $0x200, $0x38;
	[tilespmem:$0x7600] =	vst v63  }
0x1d: {  	_ =	swait.ge [sflag:s15], $0x200  }
0x1e: {  	[sflag:s15] =	ssyncset.done $0x0  }
0x1f: {  	s26 =	simm.s32 $0x0;
	[sflag:s15] =	ssyncadd.s32 $0xFFFFFE00  }
0x20: {  	v0 =	vld [tilespmem:s26+$0x0]  }
0x21: {  	v1 =	vld [tilespmem:s26+$0x200]  }
0x22: {  	v2 =	vld [tilespmem:s26+$0x400]  }
0x23: {  	v3 =	vld [tilespmem:s26+$0x80]  }
0x24: {  	v4 =	vld [tilespmem:s26+$0x280]  }
0x25: {  	v5 =	vld [tilespmem:s26+$0x480];
	v0 =	vadd.s32 $0x1, v0  }
0x26: {  	[tilespmem:s26+$0x0] =	vst v0;
	v0 =	vadd.s32 $0x1, v1;
	v1 =	vld [tilespmem:s26+$0x100]  }
0x27: {  	v2 =	vadd.s32 $0x1, v2;
	[tilespmem:s26+$0x200] =	vst v0;
	v0 =	vld [tilespmem:s26+$0x300]  }
0x28: {  	v3 =	vadd.s32 $0x1, v3;
	[tilespmem:s26+$0x400] =	vst v2;
	v2 =	vld [tilespmem:s26+$0x500]  }
0x29: {  	v4 =	vadd.s32 $0x1, v4;
	[tilespmem:s26+$0x80] =	vst v3;
	v3 =	vld [tilespmem:s26+$0x180]  }
0x2a: {  	s28 =	simm.s32 $0x40;
	v5 =	vadd.s32 $0x1, v5;
	[tilespmem:s26+$0x280] =	vst v4;
	v4 =	vld [tilespmem:s26+$0x380]  }
.LBB2_2:
0x2b: {  	s24 =	sshra.s32 s28, $0x2;
	p0 =	sne.s32 s28, $0x1C0;
	[tilespmem:s26+$0x480] =	vst v5;
	v1 =	vadd.s32 $0x1, v1;
	v5 =	vld [tilespmem:s26+$0x580]  }
0x2c: {  	v6 =	vld [tilespmem:s24+$0x0];
	[tilespmem:s26+$0x100] =	vst v1;
	v0 =	vadd.s32 $0x1, v0  }
0x2d: {  	v1 =	vld [tilespmem:s24+$0x200];
	[tilespmem:s26+$0x300] =	vst v0;
	v0 =	vadd.s32 $0x1, v2  }
0x2e: {  	v2 =	vld [tilespmem:s24+$0x400];
	[tilespmem:s26+$0x500] =	vst v0;
	v0 =	vadd.s32 $0x1, v3  }
0x2f: {  	v3 =	vld [tilespmem:s24+$0x80];
	[tilespmem:s26+$0x180] =	vst v0;
	v0 =	vadd.s32 $0x1, v4  }
0x30: {  	v4 =	vld [tilespmem:s24+$0x280];
	[tilespmem:s26+$0x380] =	vst v0;
	v0 =	vadd.s32 $0x1, v5  }
0x31: {  	v5 =	vadd.s32 $0x1, v6;
	v6 =	vld [tilespmem:s24+$0x480];
	[tilespmem:s26+$0x580] =	vst v0;
	s26 =	smov.u32 s24  }
.Ltmp0:
0x32: {  	[tilespmem:s26+$0x0] =	vst v5;
	v0 =	vadd.s32 $0x1, v1;
	v1 =	vld [tilespmem:s26+$0x100];
	(pc) =	sbr.rel @p0 .LBB2_2-.Ltmp0, $4  }
0x33: {  	[tilespmem:s26+$0x200] =	vst v0;
	v2 =	vadd.s32 $0x1, v2;
	v0 =	vld [tilespmem:s26+$0x300]  }
0x34: {  	[tilespmem:s26+$0x400] =	vst v2;
	v3 =	vadd.s32 $0x1, v3;
	v2 =	vld [tilespmem:s26+$0x500]  }
0x35: {  	[tilespmem:s26+$0x80] =	vst v3;
	v4 =	vadd.s32 $0x1, v4;
	v3 =	vld [tilespmem:s26+$0x180]  }
0x36: {  	s28 =	sadd.s32 $0x40, s28;
	[tilespmem:s26+$0x280] =	vst v4;
	v5 =	vadd.s32 $0x1, v6;
	v4 =	vld [tilespmem:s26+$0x380]  }
0x37: {  	[tilespmem:s26+$0x480] =	vst v5;
	v1 =	vadd.s32 $0x1, v1;
	v59 =	vld [tilespmem:s26+$0x580]  }
0x38: {  	[tilespmem:s26+$0x100] =	vst v1;
	v0 =	vadd.s32 $0x1, v0  }
0x39: {  	[tilespmem:s26+$0x300] =	vst v0;
	v60 =	vadd.s32 $0x1, v2  }
0x3a: {  	[tilespmem:s26+$0x500] =	vst v60;
	v61 =	vadd.s32 $0x1, v3  }
0x3b: {  	[tilespmem:s26+$0x180] =	vst v61;
	v62 =	vadd.s32 $0x1, v4  }
0x3c: {  	[tilespmem:s26+$0x380] =	vst v62;
	v63 =	vadd.s32 $0x1, v59  }
0x3d: {  	[tilespmem:s26+$0x580] =	vst v63  }
0x3e: {  	[tilespmem:s19], [sflag:$0x1] =	stream.indirect.gather [hbm4b:s3+s18], $0x10, s2, s18, $0xb8;
	[tilespmem:$0x7600] =	vst v63  }
0x3f: {  	_ = 	snop  }
0x40: {  	[tilespmem:s20], [sflag:$0x2] =	stream.indirect.gather [hbm4b:s4+s18], $0x10, s16, s18, $0xb8;
	[tilespmem:$0x7600] =	vst v63  }
0x41: {  	_ = 	snop  }
0x42: {  	[tilespmem:s21], [sflag:$0x3] =	stream.indirect.gather [hbm4b:s5+s18], $0x10, s17, s18, $0xb8;
	[tilespmem:$0x7600] =	vst v63  }
0x43: {  	s24 =	simm.s32 $0xE00  }
0x44: {  	[tilespmem:s24], [sflag:$0x1] =	stream.indirect.gather [hbm4b:s3+s18], $0x10, s18, s18, $0xb8;
	[tilespmem:$0x7600] =	vst v63  }
0x45: {  	s28 =	simm.s32 $0x2E00;
	s26 =	simm.s32 $0x280  }
0x46: {  	[tilespmem:s28], [sflag:$0x2] =	stream.indirect.gather [hbm4b:s4+s18], $0x10, s26, s18, $0xb8;
	[tilespmem:$0x7600] =	vst v63  }
0x47: {  	s26 =	simm.s32 $0x480;
	s28 =	simm.s32 $0x4E00  }
0x48: {  	[tilespmem:s28], [sflag:$0x3] =	stream.indirect.gather [hbm4b:s5+s18], $0x10, s26, s18, $0xb8;
	[tilespmem:$0x7600] =	vst v63  }
0x49: {  	s26 =	simm.s32 $0x100;
	s28 =	simm.s32 $0x1600  }
0x4a: {  	[tilespmem:s28], [sflag:$0x1] =	stream.indirect.gather [hbm4b:s3+s18], $0x10, s26, s18, $0xb8;
	[tilespmem:$0x7600] =	vst v63  }
0x4b: {  	s26 =	simm.s32 $0x300;
	s28 =	simm.s32 $0x3600  }
0x4c: {  	[tilespmem:s28], [sflag:$0x2] =	stream.indirect.gather [hbm4b:s4+s18], $0x10, s26, s18, $0xb8;
	[tilespmem:$0x7600] =	vst v63  }
0x4d: {  	s26 =	simm.s32 $0x500;
	s28 =	simm.s32 $0x5600  }
0x4e: {  	[tilespmem:s28], [sflag:$0x3] =	stream.indirect.gather [hbm4b:s5+s18], $0x10, s26, s18, $0xb8;
	[tilespmem:$0x7600] =	vst v63  }
0x4f: {  	s26 =	simm.s32 $0x180;
	s28 =	simm.s32 $0x1E00  }
0x50: {  	[tilespmem:s28], [sflag:$0x1] =	stream.indirect.gather [hbm4b:s3+s18], $0x10, s26, s18, $0xb8;
	[tilespmem:$0x7600] =	vst v63  }
0x51: {  	s26 =	simm.s32 $0x380;
	s28 =	simm.s32 $0x3E00  }
0x52: {  	[tilespmem:s28], [sflag:$0x2] =	stream.indirect.gather [hbm4b:s4+s18], $0x10, s26, s18, $0xb8;
	[tilespmem:$0x7600] =	vst v63  }
0x53: {  	s26 =	simm.s32 $0x580;
	s28 =	simm.s32 $0x5E00  }
0x54: {  	[tilespmem:s28], [sflag:$0x3] =	stream.indirect.gather [hbm4b:s5+s18], $0x10, s26, s18, $0xb8;
	[tilespmem:$0x7600] =	vst v63  }
0x55: {  	_ = 	snop  }
0x56: {  	[tilespmem:s29], [sflag:$0x4] =	stream.linear.gather [hbm4b:s10+s2], $0x1000, $0x38;
	[tilespmem:$0x7600] =	vst v63  }
0x57: {  	_ =	swait.ge [sflag:s30], $0x800  }
0x58: {  	[sflag:s30] =	ssyncset.done $0x0  }
0x59: {  	[sflag:s30] =	ssyncadd.s32 $0xFFFFF800  }
0x5a: {  	_ =	swait.ge [sflag:s31], $0x800  }
0x5b: {  	[sflag:s31] =	ssyncset.done $0x0  }
0x5c: {  	[sflag:s31] =	ssyncadd.s32 $0xFFFFF800  }
0x5d: {  	_ =	swait.ge [sflag:s0], $0x800  }
0x5e: {  	[sflag:s0] =	ssyncset.done $0x0  }
0x5f: {  	[sflag:s0] =	ssyncadd.s32 $0xFFFFF800  }
0x60: {  	_ =	swait.ge [sflag:s30], $0x800  }
0x61: {  	[sflag:s30] =	ssyncset.done $0x0  }
0x62: {  	[sflag:s30] =	ssyncadd.s32 $0xFFFFF800  }
0x63: {  	_ =	swait.ge [sflag:s31], $0x800  }
0x64: {  	[sflag:s31] =	ssyncset.done $0x0  }
0x65: {  	[sflag:s31] =	ssyncadd.s32 $0xFFFFF800  }
0x66: {  	_ =	swait.ge [sflag:s0], $0x800  }
0x67: {  	[sflag:s0] =	ssyncset.done $0x0  }
0x68: {  	[sflag:s0] =	ssyncadd.s32 $0xFFFFF800  }
0x69: {  	_ =	swait.ge [sflag:s30], $0x800  }
0x6a: {  	[sflag:s30] =	ssyncset.done $0x0  }
0x6b: {  	[sflag:s30] =	ssyncadd.s32 $0xFFFFF800  }
0x6c: {  	_ =	swait.ge [sflag:s31], $0x800  }
0x6d: {  	[sflag:s31] =	ssyncset.done $0x0  }
0x6e: {  	[sflag:s31] =	ssyncadd.s32 $0xFFFFF800  }
0x6f: {  	_ =	swait.ge [sflag:s0], $0x800  }
0x70: {  	[sflag:s0] =	ssyncset.done $0x0  }
0x71: {  	[sflag:s0] =	ssyncadd.s32 $0xFFFFF800  }
0x72: {  	_ =	swait.ge [sflag:s30], $0x800  }
0x73: {  	[sflag:s30] =	ssyncset.done $0x0  }
0x74: {  	[sflag:s30] =	ssyncadd.s32 $0xFFFFF800  }
0x75: {  	_ =	swait.ge [sflag:s31], $0x800  }
0x76: {  	[sflag:s31] =	ssyncset.done $0x0  }
0x77: {  	[sflag:s31] =	ssyncadd.s32 $0xFFFFF800  }
0x78: {  	_ =	swait.ge [sflag:s0], $0x800  }
0x79: {  	[sflag:s0] =	ssyncset.done $0x0  }
0x7a: {  	[sflag:s0] =	ssyncadd.s32 $0xFFFFF800  }
0x7b: {  	_ =	swait.ge [sflag:s1], $0x1000  }
0x7c: {  	[sflag:s1] =	ssyncset.done $0x0  }
0x7d: {  	[sflag:s1] =	ssyncadd.s32 $0xFFFFF000  }
0x7e: {  	[hbm4b:s8+s22] =	stream.strided.scatter [tilespmem:s19], [sflag:$0x1], $0x2000, s23, s22, $0x38;
	[tilespmem:$0x7600] =	vst v63  }
0x7f: {  	_ = 	snop  }
0x80: {  	[hbm4b:s11+s22] =	stream.strided.scatter [tilespmem:s20], [sflag:$0x2], $0x2000, s23, s22, $0x38;
	[tilespmem:$0x7600] =	vst v63  }
0x81: {  	_ = 	snop  }
0x82: {  	[hbm4b:s12+s22] =	stream.strided.scatter [tilespmem:s21], [sflag:$0x3], $0x2000, s23, s22, $0x38;
	[tilespmem:$0x7600] =	vst v63  }
0x83: {  	s28 =	simm.s32 $0x8  }
0x84: {  	[hbm4b:s13+s28] =	stream.strided.scatter [tilespmem:s29], [sflag:$0x4], $0x1000, s23, s28, $0x38;
	[tilespmem:$0x7600] =	vst v63  }
0x85: {  	_ =	swait.ge [sflag:s30], $0x2000  }
0x86: {  	[sflag:s30] =	ssyncset.done $0x0  }
0x87: {  	[sflag:s30] =	ssyncadd.s32 $0xFFFFE000  }
0x88: {  	_ =	swait.ge [sflag:s31], $0x2000  }
0x89: {  	[sflag:s31] =	ssyncset.done $0x0  }
0x8a: {  	s25 =	sadd.s32 $0x1, s25;
	[sflag:s31] =	ssyncadd.s32 $0xFFFFE000  }
0x8b: {  	p0 =	sne.s32 s25, s14;
	_ =	swait.ge [sflag:s0], $0x2000  }
.Ltmp1:
0x8c: {  	[sflag:s0] =	ssyncset.done $0x0;
	(pc) =	sbr.rel @p0 .LBB2_1-.Ltmp1, $4  }
0x8d: {  	[sflag:s0] =	ssyncadd.s32 $0xFFFFE000  }
0x8e: {  	_ =	swait.ge [sflag:s1], $0x1000  }
0x8f: {  	[sflag:s1] =	ssyncset.done $0x0  }
0x90: {  	[sflag:s1] =	ssyncadd.s32 $0xFFFFF000  }
0x91: {  	_ =	sfence.sel $0x180000  }
0x92: {  	[bflag:$0x0] =	sbarrier.arrive $0xFFFF  }
0x93: {  	_ =	strace $0x90000047  }
0x94: {  	s0 =	stileid.u32;
	[bflag:$0x2] =	sbarrier.arrive $0xFFFF  }
0x95: {  	p0 =	sne.s32 s0, $0x0;
	s0 =	rddreg [dreg:$0x5]  }
0x96: {  	s0 =	sadd.s32 @!p0 $0x100000, s0  }
0x97: {  	[sflag:s0] =	ssyncadd.tile.s32 @!p0 $0x1;
	_ =	shalt  }
.Lfunc_end2:
_tile_overlayer_lowered:
.L_overlay_start_2:
0x98: {  	(tag) =	ssettag $0x2  }
0x99: {  	s0 =	rddreg [dreg:$0x0];
	s2 =	stileid.u32  }
0x9a: {  	s1 =	rddreg [dreg:$0x1];
	p0 =	sne.s32 s2, $0x0  }
0x9b: {  	s3 =	rddreg [dreg:$0x2];
	[bflag:$0x3] =	sbarrier.arrive $0xFFFF;
	s2 =	simm.s32 @!p0 $0x1C05  }
0x9c: {  	[timem:s3], [sflag:s2] =	dma.local @!p0 [hbm:s0], s1  }
0x9d: {  	s0 =	simm.s32 @!p0 $0x5  }
0x9e: {  	_ =	swait.ge @!p0 [sflag:s0], s1  }
0x9f: {  	s1 =	ssub.s32 @!p0 $0x0, s1;
	[sflag:s0] =	ssyncset.done @!p0 $0x0  }
0xa0: {  	[sflag:s0] =	ssyncadd.s32 @!p0 s1  }
0xa1: {  	[bflag:$0x3] =	sbarrier.arrive $0xFFFF  }
0xa2: {  	_ =	shalt  }

</sc_bundles>
